<compile_context>
chip_gen: v7x
topology: tpu7x:2x2x1
jax: 0.10.2.dev20260603
libtpu: 0.0.44.dev20260713+nightly
codegen_flags: <defaults>
</compile_context>

<pallas_src>
import jax
import jax.numpy as jnp
from jax import lax
from jax.experimental import pallas as pl
from jax.experimental.pallas import tpu as pltpu
from jax.experimental.pallas import tpu_sc as plsc

B, C_IN, C_OUT, H, W = 32, 384, 768, 28, 28
HW = H * W
P = HW * B
ABLATION_VALUE = 10000000.0
L = 16
NSTEP = 14
MBLK = P // NSTEP
GRP = MBLK // B
NPAD = L


def _tc_min_body(x_ref, w_ref, b_ref, min_ref):
    xb = x_ref[...].astype(jnp.bfloat16)
    acc = lax.dot_general(
        xb, w_ref[...], (((1,), (0,)), ((), ())),
        preferred_element_type=jnp.float32,
    )
    min_ref[0, 0, 0] = jnp.min(acc + b_ref[...])


def _conv_min(xp, WtT, b2):
    return pl.pallas_call(
        _tc_min_body,
        grid=(NSTEP,),
        in_specs=[
            pl.BlockSpec((MBLK, C_IN), lambda i: (i, 0)),
            pl.BlockSpec((C_IN, C_OUT), lambda i: (0, 0)),
            pl.BlockSpec((1, C_OUT), lambda i: (0, 0)),
        ],
        out_specs=pl.BlockSpec(
            (1, 1, 1), lambda i: (i, 0, 0), memory_space=pltpu.SMEM
        ),
        out_shape=jax.ShapeDtypeStruct((NPAD, 1, 1), jnp.float32),
    )(xp, WtT, b2)


def _sc_body(mins_hbm, vals_hbm, mins_v, vals_v):
    c = lax.axis_index("c")
    s = lax.axis_index("s")

    @pl.when(jnp.logical_and(c == 0, s == 0))
    def _():
        pltpu.sync_copy(mins_hbm, mins_v)
        lane = lax.iota(jnp.int32, L)
        m = jnp.min(jnp.where(lane < NSTEP, mins_v[...], jnp.float32(3.0e38)))
        vlo = jnp.zeros((L,), jnp.float32)
        vhi = jnp.zeros((L,), jnp.float32)
        for i in range(B):
            m = jnp.where(m == 0.0, jnp.float32(0.0), m - ABLATION_VALUE)
            if i < L:
                vlo = jnp.where(lane == i, m, vlo)
            else:
                vhi = jnp.where(lane == (i - L), m, vhi)
        vals_v[pl.ds(0, L)] = vlo
        vals_v[pl.ds(L, L)] = vhi
        pltpu.sync_copy(vals_v, vals_hbm)


_sc_cache = []


def _get_sc_vals():
    if not _sc_cache:
        _sc_cache.append(pl.kernel(
            _sc_body,
            out_type=jax.ShapeDtypeStruct((B,), jnp.float32),
            mesh=plsc.VectorSubcoreMesh(core_axis_name="c", subcore_axis_name="s"),
            compiler_params=pltpu.CompilerParams(
                needs_layout_passes=False, use_tc_tiling_on_sc=False
            ),
            scratch_types=[
                pltpu.VMEM((NPAD,), jnp.float32),
                pltpu.VMEM((B,), jnp.float32),
            ],
        ))
    return _sc_cache[0]


def _tc_abl_body(x_ref, w_ref, b_ref, vals_ref, idx_ref, out_ref):
    acc = lax.dot_general(
        x_ref[...].astype(jnp.bfloat16), w_ref[...], (((1,), (0,)), ((), ())),
        preferred_element_type=jnp.float32,
    )
    acc = acc + b_ref[...]
    rowi = lax.broadcasted_iota(jnp.int32, (B, 1), 0)
    rv = jnp.zeros((B, 1), jnp.float32)
    ri = jnp.full((B, 1), -1, jnp.int32)
    for i in range(B):
        rv = jnp.where(rowi == i, vals_ref[0, i], rv)
        ri = jnp.where(rowi == i, idx_ref[0, i], ri)
    col = lax.broadcasted_iota(jnp.int32, (B, C_OUT), 1)
    mask = col == ri
    acc3 = acc.reshape(GRP, B, C_OUT)
    acc3 = jnp.where(mask[None], rv[None], acc3)
    out_ref[...] = acc3.reshape(MBLK, C_OUT)


def _conv_abl(xp, WtT, b2, vals2, idx2):
    return pl.pallas_call(
        _tc_abl_body,
        grid=(NSTEP,),
        in_specs=[
            pl.BlockSpec((MBLK, C_IN), lambda i: (i, 0)),
            pl.BlockSpec((C_IN, C_OUT), lambda i: (0, 0)),
            pl.BlockSpec((1, C_OUT), lambda i: (0, 0)),
            pl.BlockSpec((1, B), lambda i: (0, 0), memory_space=pltpu.SMEM),
            pl.BlockSpec((1, B), lambda i: (0, 0), memory_space=pltpu.SMEM),
        ],
        out_specs=pl.BlockSpec((MBLK, C_OUT), lambda i: (i, 0)),
        out_shape=jax.ShapeDtypeStruct((P, C_OUT), jnp.float32),
    )(xp, WtT, b2, vals2, idx2)


def kernel(x, Wt, b, indices):
    xp = jnp.transpose(x, (2, 3, 0, 1)).reshape(P, C_IN)
    WtT = Wt.T.astype(jnp.bfloat16)
    b2 = b.reshape(1, C_OUT)
    mins = _conv_min(xp, WtT, b2)
    vals = _get_sc_vals()(mins.reshape(NPAD))
    y = _conv_abl(xp, WtT, b2, vals.reshape(1, B), indices.reshape(1, B))
    return jnp.transpose(y.reshape(H, W, B, C_OUT), (2, 3, 0, 1))

# --- scband reference (transcript-rebuilt; emitter-appended) ---
"""Pipeline reference for scband-ablation-layer-56358560858377 (READ-ONLY COPY).

The authoritative reference and input builder live on the scoring server;
editing this copy changes nothing except your own understanding.
"""

import jax, jax.numpy as jnp
import numpy as np

B, C_IN, C_OUT, H, W = 32, 384, 768, 28, 28
ABLATION_VALUE = 10000000.0

def setup_inputs(seed: int = 0) -> dict:
    key = jax.random.key(seed)
    k1, k2, k3, k4 = jax.random.split(key, 4)
    x = jax.random.normal(k1, (B, C_IN, H, W), dtype=jnp.float32)
    Wt = jax.random.normal(k2, (C_OUT, C_IN), dtype=jnp.float32) * 0.02
    b = jax.random.normal(k3, (C_OUT,), dtype=jnp.float32) * 0.02
    indices = jax.random.randint(k4, (B,), 0, C_OUT, dtype=jnp.int32)
    return {"x": x, "Wt": Wt, "b": b, "indices": indices}

def reference(x, Wt, b, indices):
    # self.layer(x): 1x1 conv == channel-mixing einsum
    out = jnp.einsum('bchw,oc->bohw', x, Wt) + b[None, :, None, None]
    # sequential ablation loop: min is recomputed over the WHOLE tensor each
    # iteration, so ablated values cascade (min drops by ABLATION_VALUE per step)
    for i in range(out.shape[0]):
        m = jnp.min(out)
        val = jnp.where(m == 0, jnp.float32(0.0), m - ABLATION_VALUE)
        out = out.at[i, indices[i]].set(val)  # scatter-overwrite of one channel slice
    return out

if __name__ == "__main__":
    import jax
    _d = setup_inputs()
    print(jax.jit(kernel)(*tuple(_d.values())))

</pallas_src>

<mosaic_0001>
#map = affine_map<(d0, d1) -> (0)>
module attributes {stable_mosaic.version = 14 : i64} {
  func.func @_sc_body(%arg0: i32, %arg1: i32, %arg2: memref<16xf32, #tpu.memory_space<hbm>>, %arg3: memref<32xf32, #tpu.memory_space<hbm>>, %arg4: memref<16xf32, #tpu.memory_space<vmem>>, %arg5: memref<32xf32, #tpu.memory_space<vmem>>) attributes {dimension_semantics = [#tpu.dimension_semantics<core_parallel>, #tpu.dimension_semantics<subcore_parallel>], iteration_bounds = array<i64: 2, 16>, scalar_prefetch = 0 : i64, scratch_operands = 2 : i64, tpu.core_type = #tpu.core_type<sc_vector_subcore>, window_params = [{transform_indices = #map}, {transform_indices = #map}]} {
    %eq3A = arith.constant 0 : i32
    %eq3A_0 = arith.cmpi eq, %arg0, %eq3A : i32
    %eq3A_1 = arith.constant 0 : i32
    %eq3A_2 = arith.cmpi eq, %arg1, %eq3A_1 : i32
    %and3A = arith.andi %eq3A_0, %eq3A_2 : i1
    %convert_element_type3A = arith.extui %and3A : i1 to i32
    %cond3A = arith.constant 0 : i32
    %cond3A_3 = arith.cmpi ne, %convert_element_type3A, %cond3A : i32
    scf.if %cond3A_3 {
      "tpu.region"() ({
        %run_scoped3A = tpu.sem_alloc : memref<!tpu.dma_semaphore, #tpu.memory_space<semaphore_mem>>
        tpu.enqueue_dma source(%arg2 : memref<16xf32, #tpu.memory_space<hbm>>) target(%arg4 : memref<16xf32, #tpu.memory_space<vmem>>) target_semaphore(%run_scoped3A : memref<!tpu.dma_semaphore, #tpu.memory_space<semaphore_mem>>)
        tpu.wait_dma2 semaphore(%run_scoped3A : memref<!tpu.dma_semaphore, #tpu.memory_space<semaphore_mem>>) src(%arg2 : memref<16xf32, #tpu.memory_space<hbm>>) dst(%arg4 : memref<16xf32, #tpu.memory_space<vmem>>)
        tpu.yield
      }) : () -> ()
      %iota3A = tpu.iota {dimensions = array<i32: 0>} : vector<16xi32>
      %lt3A = arith.constant 14 : i32
      %lt3A_4 = vector.broadcast %lt3A : i32 to vector<16xi32>
      %lt3A_5 = arith.cmpi slt, %iota3A, %lt3A_4 : vector<16xi32>
      %get3A = arith.constant 0 : index
      %get3A_6 = tpu.vector_load %arg4[%get3A] {strides = array<i32>} : memref<16xf32, #tpu.memory_space<vmem>>, vector<16xf32>,
      %jit3A = arith.constant 3.000000e+38 : f32
      %broadcast_in_dim3A = vector.broadcast %jit3A : f32 to vector<16xf32>
      %select_n3A = arith.select %lt3A_5, %get3A_6, %broadcast_in_dim3A : vector<16xi1>, vector<16xf32>
      %reduce_min3A = arith.constant true
      %reduce_min3A_7 = vector.broadcast %reduce_min3A : i1 to vector<16xi1>
      %reduce_min3A_8 = tpu.scan <min>, %select_n3A masked %reduce_min3A_7 : vector<16xf32>, vector<16xi1> -> vector<16xf32>
      %reduce_min3A_9 = vector.extract %reduce_min3A_8[15] : f32 from vector<16xf32>
      %broadcast_in_dim3A_10 = arith.constant 0.000000e+00 : f32
      %broadcast_in_dim3A_11 = vector.broadcast %broadcast_in_dim3A_10 : f32 to vector<16xf32>
      %broadcast_in_dim3A_12 = arith.constant 0.000000e+00 : f32
      %broadcast_in_dim3A_13 = vector.broadcast %broadcast_in_dim3A_12 : f32 to vector<16xf32>
      %eq3A_14 = arith.constant 0.000000e+00 : f32
      %eq3A_15 = arith.cmpf oeq, %reduce_min3A_9, %eq3A_14 : f32
      %sub3A = arith.constant 1.000000e+07 : f32
      %sub3A_16 = arith.subf %reduce_min3A_9, %sub3A : f32
      %jit3A_17 = arith.constant 0.000000e+00 : f32
      %select_n3A_18 = arith.select %eq3A_15, %jit3A_17, %sub3A_16 : f32
      %eq3A_19 = arith.constant 0 : i32
      %eq3A_20 = vector.broadcast %eq3A_19 : i32 to vector<16xi32>
      %eq3A_21 = arith.cmpi eq, %iota3A, %eq3A_20 : vector<16xi32>
      %broadcast_in_dim3A_22 = vector.broadcast %select_n3A_18 : f32 to vector<16xf32>
      %select_n3A_23 = arith.select %eq3A_21, %broadcast_in_dim3A_22, %broadcast_in_dim3A_11 : vector<16xi1>, vector<16xf32>
      %eq3A_24 = arith.constant 0.000000e+00 : f32
      %eq3A_25 = arith.cmpf oeq, %select_n3A_18, %eq3A_24 : f32
      %sub3A_26 = arith.constant 1.000000e+07 : f32
      %sub3A_27 = arith.subf %select_n3A_18, %sub3A_26 : f32
      %jit3A_28 = arith.constant 0.000000e+00 : f32
      %select_n3A_29 = arith.select %eq3A_25, %jit3A_28, %sub3A_27 : f32
      %eq3A_30 = arith.constant 1 : i32
      %eq3A_31 = vector.broadcast %eq3A_30 : i32 to vector<16xi32>
      %eq3A_32 = arith.cmpi eq, %iota3A, %eq3A_31 : vector<16xi32>
      %broadcast_in_dim3A_33 = vector.broadcast %select_n3A_29 : f32 to vector<16xf32>
      %select_n3A_34 = arith.select %eq3A_32, %broadcast_in_dim3A_33, %select_n3A_23 : vector<16xi1>, vector<16xf32>
      %eq3A_35 = arith.constant 0.000000e+00 : f32
      %eq3A_36 = arith.cmpf oeq, %select_n3A_29, %eq3A_35 : f32
      %sub3A_37 = arith.constant 1.000000e+07 : f32
      %sub3A_38 = arith.subf %select_n3A_29, %sub3A_37 : f32
      %jit3A_39 = arith.constant 0.000000e+00 : f32
      %select_n3A_40 = arith.select %eq3A_36, %jit3A_39, %sub3A_38 : f32
      %eq3A_41 = arith.constant 2 : i32
      %eq3A_42 = vector.broadcast %eq3A_41 : i32 to vector<16xi32>
      %eq3A_43 = arith.cmpi eq, %iota3A, %eq3A_42 : vector<16xi32>
      %broadcast_in_dim3A_44 = vector.broadcast %select_n3A_40 : f32 to vector<16xf32>
      %select_n3A_45 = arith.select %eq3A_43, %broadcast_in_dim3A_44, %select_n3A_34 : vector<16xi1>, vector<16xf32>
      %eq3A_46 = arith.constant 0.000000e+00 : f32
      %eq3A_47 = arith.cmpf oeq, %select_n3A_40, %eq3A_46 : f32
      %sub3A_48 = arith.constant 1.000000e+07 : f32
      %sub3A_49 = arith.subf %select_n3A_40, %sub3A_48 : f32
      %jit3A_50 = arith.constant 0.000000e+00 : f32
      %select_n3A_51 = arith.select %eq3A_47, %jit3A_50, %sub3A_49 : f32
      %eq3A_52 = arith.constant 3 : i32
      %eq3A_53 = vector.broadcast %eq3A_52 : i32 to vector<16xi32>
      %eq3A_54 = arith.cmpi eq, %iota3A, %eq3A_53 : vector<16xi32>
      %broadcast_in_dim3A_55 = vector.broadcast %select_n3A_51 : f32 to vector<16xf32>
      %select_n3A_56 = arith.select %eq3A_54, %broadcast_in_dim3A_55, %select_n3A_45 : vector<16xi1>, vector<16xf32>
      %eq3A_57 = arith.constant 0.000000e+00 : f32
      %eq3A_58 = arith.cmpf oeq, %select_n3A_51, %eq3A_57 : f32
      %sub3A_59 = arith.constant 1.000000e+07 : f32
      %sub3A_60 = arith.subf %select_n3A_51, %sub3A_59 : f32
      %jit3A_61 = arith.constant 0.000000e+00 : f32
      %select_n3A_62 = arith.select %eq3A_58, %jit3A_61, %sub3A_60 : f32
      %eq3A_63 = arith.constant 4 : i32
      %eq3A_64 = vector.broadcast %eq3A_63 : i32 to vector<16xi32>
      %eq3A_65 = arith.cmpi eq, %iota3A, %eq3A_64 : vector<16xi32>
      %broadcast_in_dim3A_66 = vector.broadcast %select_n3A_62 : f32 to vector<16xf32>
      %select_n3A_67 = arith.select %eq3A_65, %broadcast_in_dim3A_66, %select_n3A_56 : vector<16xi1>, vector<16xf32>
      %eq3A_68 = arith.constant 0.000000e+00 : f32
      %eq3A_69 = arith.cmpf oeq, %select_n3A_62, %eq3A_68 : f32
      %sub3A_70 = arith.constant 1.000000e+07 : f32
      %sub3A_71 = arith.subf %select_n3A_62, %sub3A_70 : f32
      %jit3A_72 = arith.constant 0.000000e+00 : f32
      %select_n3A_73 = arith.select %eq3A_69, %jit3A_72, %sub3A_71 : f32
      %eq3A_74 = arith.constant 5 : i32
      %eq3A_75 = vector.broadcast %eq3A_74 : i32 to vector<16xi32>
      %eq3A_76 = arith.cmpi eq, %iota3A, %eq3A_75 : vector<16xi32>
      %broadcast_in_dim3A_77 = vector.broadcast %select_n3A_73 : f32 to vector<16xf32>
      %select_n3A_78 = arith.select %eq3A_76, %broadcast_in_dim3A_77, %select_n3A_67 : vector<16xi1>, vector<16xf32>
      %eq3A_79 = arith.constant 0.000000e+00 : f32
      %eq3A_80 = arith.cmpf oeq, %select_n3A_73, %eq3A_79 : f32
      %sub3A_81 = arith.constant 1.000000e+07 : f32
      %sub3A_82 = arith.subf %select_n3A_73, %sub3A_81 : f32
      %jit3A_83 = arith.constant 0.000000e+00 : f32
      %select_n3A_84 = arith.select %eq3A_80, %jit3A_83, %sub3A_82 : f32
      %eq3A_85 = arith.constant 6 : i32
      %eq3A_86 = vector.broadcast %eq3A_85 : i32 to vector<16xi32>
      %eq3A_87 = arith.cmpi eq, %iota3A, %eq3A_86 : vector<16xi32>
      %broadcast_in_dim3A_88 = vector.broadcast %select_n3A_84 : f32 to vector<16xf32>
      %select_n3A_89 = arith.select %eq3A_87, %broadcast_in_dim3A_88, %select_n3A_78 : vector<16xi1>, vector<16xf32>
      %eq3A_90 = arith.constant 0.000000e+00 : f32
      %eq3A_91 = arith.cmpf oeq, %select_n3A_84, %eq3A_90 : f32
      %sub3A_92 = arith.constant 1.000000e+07 : f32
      %sub3A_93 = arith.subf %select_n3A_84, %sub3A_92 : f32
      %jit3A_94 = arith.constant 0.000000e+00 : f32
      %select_n3A_95 = arith.select %eq3A_91, %jit3A_94, %sub3A_93 : f32
      %eq3A_96 = arith.constant 7 : i32
      %eq3A_97 = vector.broadcast %eq3A_96 : i32 to vector<16xi32>
      %eq3A_98 = arith.cmpi eq, %iota3A, %eq3A_97 : vector<16xi32>
      %broadcast_in_dim3A_99 = vector.broadcast %select_n3A_95 : f32 to vector<16xf32>
      %select_n3A_100 = arith.select %eq3A_98, %broadcast_in_dim3A_99, %select_n3A_89 : vector<16xi1>, vector<16xf32>
      %eq3A_101 = arith.constant 0.000000e+00 : f32
      %eq3A_102 = arith.cmpf oeq, %select_n3A_95, %eq3A_101 : f32
      %sub3A_103 = arith.constant 1.000000e+07 : f32
      %sub3A_104 = arith.subf %select_n3A_95, %sub3A_103 : f32
      %jit3A_105 = arith.constant 0.000000e+00 : f32
      %select_n3A_106 = arith.select %eq3A_102, %jit3A_105, %sub3A_104 : f32
      %eq3A_107 = arith.constant 8 : i32
      %eq3A_108 = vector.broadcast %eq3A_107 : i32 to vector<16xi32>
      %eq3A_109 = arith.cmpi eq, %iota3A, %eq3A_108 : vector<16xi32>
      %broadcast_in_dim3A_110 = vector.broadcast %select_n3A_106 : f32 to vector<16xf32>
      %select_n3A_111 = arith.select %eq3A_109, %broadcast_in_dim3A_110, %select_n3A_100 : vector<16xi1>, vector<16xf32>
      %eq3A_112 = arith.constant 0.000000e+00 : f32
      %eq3A_113 = arith.cmpf oeq, %select_n3A_106, %eq3A_112 : f32
      %sub3A_114 = arith.constant 1.000000e+07 : f32
      %sub3A_115 = arith.subf %select_n3A_106, %sub3A_114 : f32
      %jit3A_116 = arith.constant 0.000000e+00 : f32
      %select_n3A_117 = arith.select %eq3A_113, %jit3A_116, %sub3A_115 : f32
      %eq3A_118 = arith.constant 9 : i32
      %eq3A_119 = vector.broadcast %eq3A_118 : i32 to vector<16xi32>
      %eq3A_120 = arith.cmpi eq, %iota3A, %eq3A_119 : vector<16xi32>
      %broadcast_in_dim3A_121 = vector.broadcast %select_n3A_117 : f32 to vector<16xf32>
      %select_n3A_122 = arith.select %eq3A_120, %broadcast_in_dim3A_121, %select_n3A_111 : vector<16xi1>, vector<16xf32>
      %eq3A_123 = arith.constant 0.000000e+00 : f32
      %eq3A_124 = arith.cmpf oeq, %select_n3A_117, %eq3A_123 : f32
      %sub3A_125 = arith.constant 1.000000e+07 : f32
      %sub3A_126 = arith.subf %select_n3A_117, %sub3A_125 : f32
      %jit3A_127 = arith.constant 0.000000e+00 : f32
      %select_n3A_128 = arith.select %eq3A_124, %jit3A_127, %sub3A_126 : f32
      %eq3A_129 = arith.constant 10 : i32
      %eq3A_130 = vector.broadcast %eq3A_129 : i32 to vector<16xi32>
      %eq3A_131 = arith.cmpi eq, %iota3A, %eq3A_130 : vector<16xi32>
      %broadcast_in_dim3A_132 = vector.broadcast %select_n3A_128 : f32 to vector<16xf32>
      %select_n3A_133 = arith.select %eq3A_131, %broadcast_in_dim3A_132, %select_n3A_122 : vector<16xi1>, vector<16xf32>
      %eq3A_134 = arith.constant 0.000000e+00 : f32
      %eq3A_135 = arith.cmpf oeq, %select_n3A_128, %eq3A_134 : f32
      %sub3A_136 = arith.constant 1.000000e+07 : f32
      %sub3A_137 = arith.subf %select_n3A_128, %sub3A_136 : f32
      %jit3A_138 = arith.constant 0.000000e+00 : f32
      %select_n3A_139 = arith.select %eq3A_135, %jit3A_138, %sub3A_137 : f32
      %eq3A_140 = arith.constant 11 : i32
      %eq3A_141 = vector.broadcast %eq3A_140 : i32 to vector<16xi32>
      %eq3A_142 = arith.cmpi eq, %iota3A, %eq3A_141 : vector<16xi32>
      %broadcast_in_dim3A_143 = vector.broadcast %select_n3A_139 : f32 to vector<16xf32>
      %select_n3A_144 = arith.select %eq3A_142, %broadcast_in_dim3A_143, %select_n3A_133 : vector<16xi1>, vector<16xf32>
      %eq3A_145 = arith.constant 0.000000e+00 : f32
      %eq3A_146 = arith.cmpf oeq, %select_n3A_139, %eq3A_145 : f32
      %sub3A_147 = arith.constant 1.000000e+07 : f32
      %sub3A_148 = arith.subf %select_n3A_139, %sub3A_147 : f32
      %jit3A_149 = arith.constant 0.000000e+00 : f32
      %select_n3A_150 = arith.select %eq3A_146, %jit3A_149, %sub3A_148 : f32
      %eq3A_151 = arith.constant 12 : i32
      %eq3A_152 = vector.broadcast %eq3A_151 : i32 to vector<16xi32>
      %eq3A_153 = arith.cmpi eq, %iota3A, %eq3A_152 : vector<16xi32>
      %broadcast_in_dim3A_154 = vector.broadcast %select_n3A_150 : f32 to vector<16xf32>
      %select_n3A_155 = arith.select %eq3A_153, %broadcast_in_dim3A_154, %select_n3A_144 : vector<16xi1>, vector<16xf32>
      %eq3A_156 = arith.constant 0.000000e+00 : f32
      %eq3A_157 = arith.cmpf oeq, %select_n3A_150, %eq3A_156 : f32
      %sub3A_158 = arith.constant 1.000000e+07 : f32
      %sub3A_159 = arith.subf %select_n3A_150, %sub3A_158 : f32
      %jit3A_160 = arith.constant 0.000000e+00 : f32
      %select_n3A_161 = arith.select %eq3A_157, %jit3A_160, %sub3A_159 : f32
      %eq3A_162 = arith.constant 13 : i32
      %eq3A_163 = vector.broadcast %eq3A_162 : i32 to vector<16xi32>
      %eq3A_164 = arith.cmpi eq, %iota3A, %eq3A_163 : vector<16xi32>
      %broadcast_in_dim3A_165 = vector.broadcast %select_n3A_161 : f32 to vector<16xf32>
      %select_n3A_166 = arith.select %eq3A_164, %broadcast_in_dim3A_165, %select_n3A_155 : vector<16xi1>, vector<16xf32>
      %eq3A_167 = arith.constant 0.000000e+00 : f32
      %eq3A_168 = arith.cmpf oeq, %select_n3A_161, %eq3A_167 : f32
      %sub3A_169 = arith.constant 1.000000e+07 : f32
      %sub3A_170 = arith.subf %select_n3A_161, %sub3A_169 : f32
      %jit3A_171 = arith.constant 0.000000e+00 : f32
      %select_n3A_172 = arith.select %eq3A_168, %jit3A_171, %sub3A_170 : f32
      %eq3A_173 = arith.constant 14 : i32
      %eq3A_174 = vector.broadcast %eq3A_173 : i32 to vector<16xi32>
      %eq3A_175 = arith.cmpi eq, %iota3A, %eq3A_174 : vector<16xi32>
      %broadcast_in_dim3A_176 = vector.broadcast %select_n3A_172 : f32 to vector<16xf32>
      %select_n3A_177 = arith.select %eq3A_175, %broadcast_in_dim3A_176, %select_n3A_166 : vector<16xi1>, vector<16xf32>
      %eq3A_178 = arith.constant 0.000000e+00 : f32
      %eq3A_179 = arith.cmpf oeq, %select_n3A_172, %eq3A_178 : f32
      %sub3A_180 = arith.constant 1.000000e+07 : f32
      %sub3A_181 = arith.subf %select_n3A_172, %sub3A_180 : f32
      %jit3A_182 = arith.constant 0.000000e+00 : f32
      %select_n3A_183 = arith.select %eq3A_179, %jit3A_182, %sub3A_181 : f32
      %eq3A_184 = arith.constant 15 : i32
      %eq3A_185 = vector.broadcast %eq3A_184 : i32 to vector<16xi32>
      %eq3A_186 = arith.cmpi eq, %iota3A, %eq3A_185 : vector<16xi32>
      %broadcast_in_dim3A_187 = vector.broadcast %select_n3A_183 : f32 to vector<16xf32>
      %select_n3A_188 = arith.select %eq3A_186, %broadcast_in_dim3A_187, %select_n3A_177 : vector<16xi1>, vector<16xf32>
      %eq3A_189 = arith.constant 0.000000e+00 : f32
      %eq3A_190 = arith.cmpf oeq, %select_n3A_183, %eq3A_189 : f32
      %sub3A_191 = arith.constant 1.000000e+07 : f32
      %sub3A_192 = arith.subf %select_n3A_183, %sub3A_191 : f32
      %jit3A_193 = arith.constant 0.000000e+00 : f32
      %select_n3A_194 = arith.select %eq3A_190, %jit3A_193, %sub3A_192 : f32
      %eq3A_195 = arith.constant 0 : i32
      %eq3A_196 = vector.broadcast %eq3A_195 : i32 to vector<16xi32>
      %eq3A_197 = arith.cmpi eq, %iota3A, %eq3A_196 : vector<16xi32>
      %broadcast_in_dim3A_198 = vector.broadcast %select_n3A_194 : f32 to vector<16xf32>
      %select_n3A_199 = arith.select %eq3A_197, %broadcast_in_dim3A_198, %broadcast_in_dim3A_13 : vector<16xi1>, vector<16xf32>
      %eq3A_200 = arith.constant 0.000000e+00 : f32
      %eq3A_201 = arith.cmpf oeq, %select_n3A_194, %eq3A_200 : f32
      %sub3A_202 = arith.constant 1.000000e+07 : f32
      %sub3A_203 = arith.subf %select_n3A_194, %sub3A_202 : f32
      %jit3A_204 = arith.constant 0.000000e+00 : f32
      %select_n3A_205 = arith.select %eq3A_201, %jit3A_204, %sub3A_203 : f32
      %eq3A_206 = arith.constant 1 : i32
      %eq3A_207 = vector.broadcast %eq3A_206 : i32 to vector<16xi32>
      %eq3A_208 = arith.cmpi eq, %iota3A, %eq3A_207 : vector<16xi32>
      %broadcast_in_dim3A_209 = vector.broadcast %select_n3A_205 : f32 to vector<16xf32>
      %select_n3A_210 = arith.select %eq3A_208, %broadcast_in_dim3A_209, %select_n3A_199 : vector<16xi1>, vector<16xf32>
      %eq3A_211 = arith.constant 0.000000e+00 : f32
      %eq3A_212 = arith.cmpf oeq, %select_n3A_205, %eq3A_211 : f32
      %sub3A_213 = arith.constant 1.000000e+07 : f32
      %sub3A_214 = arith.subf %select_n3A_205, %sub3A_213 : f32
      %jit3A_215 = arith.constant 0.000000e+00 : f32
      %select_n3A_216 = arith.select %eq3A_212, %jit3A_215, %sub3A_214 : f32
      %eq3A_217 = arith.constant 2 : i32
      %eq3A_218 = vector.broadcast %eq3A_217 : i32 to vector<16xi32>
      %eq3A_219 = arith.cmpi eq, %iota3A, %eq3A_218 : vector<16xi32>
      %broadcast_in_dim3A_220 = vector.broadcast %select_n3A_216 : f32 to vector<16xf32>
      %select_n3A_221 = arith.select %eq3A_219, %broadcast_in_dim3A_220, %select_n3A_210 : vector<16xi1>, vector<16xf32>
      %eq3A_222 = arith.constant 0.000000e+00 : f32
      %eq3A_223 = arith.cmpf oeq, %select_n3A_216, %eq3A_222 : f32
      %sub3A_224 = arith.constant 1.000000e+07 : f32
      %sub3A_225 = arith.subf %select_n3A_216, %sub3A_224 : f32
      %jit3A_226 = arith.constant 0.000000e+00 : f32
      %select_n3A_227 = arith.select %eq3A_223, %jit3A_226, %sub3A_225 : f32
      %eq3A_228 = arith.constant 3 : i32
      %eq3A_229 = vector.broadcast %eq3A_228 : i32 to vector<16xi32>
      %eq3A_230 = arith.cmpi eq, %iota3A, %eq3A_229 : vector<16xi32>
      %broadcast_in_dim3A_231 = vector.broadcast %select_n3A_227 : f32 to vector<16xf32>
      %select_n3A_232 = arith.select %eq3A_230, %broadcast_in_dim3A_231, %select_n3A_221 : vector<16xi1>, vector<16xf32>
      %eq3A_233 = arith.constant 0.000000e+00 : f32
      %eq3A_234 = arith.cmpf oeq, %select_n3A_227, %eq3A_233 : f32
      %sub3A_235 = arith.constant 1.000000e+07 : f32
      %sub3A_236 = arith.subf %select_n3A_227, %sub3A_235 : f32
      %jit3A_237 = arith.constant 0.000000e+00 : f32
      %select_n3A_238 = arith.select %eq3A_234, %jit3A_237, %sub3A_236 : f32
      %eq3A_239 = arith.constant 4 : i32
      %eq3A_240 = vector.broadcast %eq3A_239 : i32 to vector<16xi32>
      %eq3A_241 = arith.cmpi eq, %iota3A, %eq3A_240 : vector<16xi32>
      %broadcast_in_dim3A_242 = vector.broadcast %select_n3A_238 : f32 to vector<16xf32>
      %select_n3A_243 = arith.select %eq3A_241, %broadcast_in_dim3A_242, %select_n3A_232 : vector<16xi1>, vector<16xf32>
      %eq3A_244 = arith.constant 0.000000e+00 : f32
      %eq3A_245 = arith.cmpf oeq, %select_n3A_238, %eq3A_244 : f32
      %sub3A_246 = arith.constant 1.000000e+07 : f32
      %sub3A_247 = arith.subf %select_n3A_238, %sub3A_246 : f32
      %jit3A_248 = arith.constant 0.000000e+00 : f32
      %select_n3A_249 = arith.select %eq3A_245, %jit3A_248, %sub3A_247 : f32
      %eq3A_250 = arith.constant 5 : i32
      %eq3A_251 = vector.broadcast %eq3A_250 : i32 to vector<16xi32>
      %eq3A_252 = arith.cmpi eq, %iota3A, %eq3A_251 : vector<16xi32>
      %broadcast_in_dim3A_253 = vector.broadcast %select_n3A_249 : f32 to vector<16xf32>
      %select_n3A_254 = arith.select %eq3A_252, %broadcast_in_dim3A_253, %select_n3A_243 : vector<16xi1>, vector<16xf32>
      %eq3A_255 = arith.constant 0.000000e+00 : f32
      %eq3A_256 = arith.cmpf oeq, %select_n3A_249, %eq3A_255 : f32
      %sub3A_257 = arith.constant 1.000000e+07 : f32
      %sub3A_258 = arith.subf %select_n3A_249, %sub3A_257 : f32
      %jit3A_259 = arith.constant 0.000000e+00 : f32
      %select_n3A_260 = arith.select %eq3A_256, %jit3A_259, %sub3A_258 : f32
      %eq3A_261 = arith.constant 6 : i32
      %eq3A_262 = vector.broadcast %eq3A_261 : i32 to vector<16xi32>
      %eq3A_263 = arith.cmpi eq, %iota3A, %eq3A_262 : vector<16xi32>
      %broadcast_in_dim3A_264 = vector.broadcast %select_n3A_260 : f32 to vector<16xf32>
      %select_n3A_265 = arith.select %eq3A_263, %broadcast_in_dim3A_264, %select_n3A_254 : vector<16xi1>, vector<16xf32>
      %eq3A_266 = arith.constant 0.000000e+00 : f32
      %eq3A_267 = arith.cmpf oeq, %select_n3A_260, %eq3A_266 : f32
      %sub3A_268 = arith.constant 1.000000e+07 : f32
      %sub3A_269 = arith.subf %select_n3A_260, %sub3A_268 : f32
      %jit3A_270 = arith.constant 0.000000e+00 : f32
      %select_n3A_271 = arith.select %eq3A_267, %jit3A_270, %sub3A_269 : f32
      %eq3A_272 = arith.constant 7 : i32
      %eq3A_273 = vector.broadcast %eq3A_272 : i32 to vector<16xi32>
      %eq3A_274 = arith.cmpi eq, %iota3A, %eq3A_273 : vector<16xi32>
      %broadcast_in_dim3A_275 = vector.broadcast %select_n3A_271 : f32 to vector<16xf32>
      %select_n3A_276 = arith.select %eq3A_274, %broadcast_in_dim3A_275, %select_n3A_265 : vector<16xi1>, vector<16xf32>
      %eq3A_277 = arith.constant 0.000000e+00 : f32
      %eq3A_278 = arith.cmpf oeq, %select_n3A_271, %eq3A_277 : f32
      %sub3A_279 = arith.constant 1.000000e+07 : f32
      %sub3A_280 = arith.subf %select_n3A_271, %sub3A_279 : f32
      %jit3A_281 = arith.constant 0.000000e+00 : f32
      %select_n3A_282 = arith.select %eq3A_278, %jit3A_281, %sub3A_280 : f32
      %eq3A_283 = arith.constant 8 : i32
      %eq3A_284 = vector.broadcast %eq3A_283 : i32 to vector<16xi32>
      %eq3A_285 = arith.cmpi eq, %iota3A, %eq3A_284 : vector<16xi32>
      %broadcast_in_dim3A_286 = vector.broadcast %select_n3A_282 : f32 to vector<16xf32>
      %select_n3A_287 = arith.select %eq3A_285, %broadcast_in_dim3A_286, %select_n3A_276 : vector<16xi1>, vector<16xf32>
      %eq3A_288 = arith.constant 0.000000e+00 : f32
      %eq3A_289 = arith.cmpf oeq, %select_n3A_282, %eq3A_288 : f32
      %sub3A_290 = arith.constant 1.000000e+07 : f32
      %sub3A_291 = arith.subf %select_n3A_282, %sub3A_290 : f32
      %jit3A_292 = arith.constant 0.000000e+00 : f32
      %select_n3A_293 = arith.select %eq3A_289, %jit3A_292, %sub3A_291 : f32
      %eq3A_294 = arith.constant 9 : i32
      %eq3A_295 = vector.broadcast %eq3A_294 : i32 to vector<16xi32>
      %eq3A_296 = arith.cmpi eq, %iota3A, %eq3A_295 : vector<16xi32>
      %broadcast_in_dim3A_297 = vector.broadcast %select_n3A_293 : f32 to vector<16xf32>
      %select_n3A_298 = arith.select %eq3A_296, %broadcast_in_dim3A_297, %select_n3A_287 : vector<16xi1>, vector<16xf32>
      %eq3A_299 = arith.constant 0.000000e+00 : f32
      %eq3A_300 = arith.cmpf oeq, %select_n3A_293, %eq3A_299 : f32
      %sub3A_301 = arith.constant 1.000000e+07 : f32
      %sub3A_302 = arith.subf %select_n3A_293, %sub3A_301 : f32
      %jit3A_303 = arith.constant 0.000000e+00 : f32
      %select_n3A_304 = arith.select %eq3A_300, %jit3A_303, %sub3A_302 : f32
      %eq3A_305 = arith.constant 10 : i32
      %eq3A_306 = vector.broadcast %eq3A_305 : i32 to vector<16xi32>
      %eq3A_307 = arith.cmpi eq, %iota3A, %eq3A_306 : vector<16xi32>
      %broadcast_in_dim3A_308 = vector.broadcast %select_n3A_304 : f32 to vector<16xf32>
      %select_n3A_309 = arith.select %eq3A_307, %broadcast_in_dim3A_308, %select_n3A_298 : vector<16xi1>, vector<16xf32>
      %eq3A_310 = arith.constant 0.000000e+00 : f32
      %eq3A_311 = arith.cmpf oeq, %select_n3A_304, %eq3A_310 : f32
      %sub3A_312 = arith.constant 1.000000e+07 : f32
      %sub3A_313 = arith.subf %select_n3A_304, %sub3A_312 : f32
      %jit3A_314 = arith.constant 0.000000e+00 : f32
      %select_n3A_315 = arith.select %eq3A_311, %jit3A_314, %sub3A_313 : f32
      %eq3A_316 = arith.constant 11 : i32
      %eq3A_317 = vector.broadcast %eq3A_316 : i32 to vector<16xi32>
      %eq3A_318 = arith.cmpi eq, %iota3A, %eq3A_317 : vector<16xi32>
      %broadcast_in_dim3A_319 = vector.broadcast %select_n3A_315 : f32 to vector<16xf32>
      %select_n3A_320 = arith.select %eq3A_318, %broadcast_in_dim3A_319, %select_n3A_309 : vector<16xi1>, vector<16xf32>
      %eq3A_321 = arith.constant 0.000000e+00 : f32
      %eq3A_322 = arith.cmpf oeq, %select_n3A_315, %eq3A_321 : f32
      %sub3A_323 = arith.constant 1.000000e+07 : f32
      %sub3A_324 = arith.subf %select_n3A_315, %sub3A_323 : f32
      %jit3A_325 = arith.constant 0.000000e+00 : f32
      %select_n3A_326 = arith.select %eq3A_322, %jit3A_325, %sub3A_324 : f32
      %eq3A_327 = arith.constant 12 : i32
      %eq3A_328 = vector.broadcast %eq3A_327 : i32 to vector<16xi32>
      %eq3A_329 = arith.cmpi eq, %iota3A, %eq3A_328 : vector<16xi32>
      %broadcast_in_dim3A_330 = vector.broadcast %select_n3A_326 : f32 to vector<16xf32>
      %select_n3A_331 = arith.select %eq3A_329, %broadcast_in_dim3A_330, %select_n3A_320 : vector<16xi1>, vector<16xf32>
      %eq3A_332 = arith.constant 0.000000e+00 : f32
      %eq3A_333 = arith.cmpf oeq, %select_n3A_326, %eq3A_332 : f32
      %sub3A_334 = arith.constant 1.000000e+07 : f32
      %sub3A_335 = arith.subf %select_n3A_326, %sub3A_334 : f32
      %jit3A_336 = arith.constant 0.000000e+00 : f32
      %select_n3A_337 = arith.select %eq3A_333, %jit3A_336, %sub3A_335 : f32
      %eq3A_338 = arith.constant 13 : i32
      %eq3A_339 = vector.broadcast %eq3A_338 : i32 to vector<16xi32>
      %eq3A_340 = arith.cmpi eq, %iota3A, %eq3A_339 : vector<16xi32>
      %broadcast_in_dim3A_341 = vector.broadcast %select_n3A_337 : f32 to vector<16xf32>
      %select_n3A_342 = arith.select %eq3A_340, %broadcast_in_dim3A_341, %select_n3A_331 : vector<16xi1>, vector<16xf32>
      %eq3A_343 = arith.constant 0.000000e+00 : f32
      %eq3A_344 = arith.cmpf oeq, %select_n3A_337, %eq3A_343 : f32
      %sub3A_345 = arith.constant 1.000000e+07 : f32
      %sub3A_346 = arith.subf %select_n3A_337, %sub3A_345 : f32
      %jit3A_347 = arith.constant 0.000000e+00 : f32
      %select_n3A_348 = arith.select %eq3A_344, %jit3A_347, %sub3A_346 : f32
      %eq3A_349 = arith.constant 14 : i32
      %eq3A_350 = vector.broadcast %eq3A_349 : i32 to vector<16xi32>
      %eq3A_351 = arith.cmpi eq, %iota3A, %eq3A_350 : vector<16xi32>
      %broadcast_in_dim3A_352 = vector.broadcast %select_n3A_348 : f32 to vector<16xf32>
      %select_n3A_353 = arith.select %eq3A_351, %broadcast_in_dim3A_352, %select_n3A_342 : vector<16xi1>, vector<16xf32>
      %eq3A_354 = arith.constant 0.000000e+00 : f32
      %eq3A_355 = arith.cmpf oeq, %select_n3A_348, %eq3A_354 : f32
      %sub3A_356 = arith.constant 1.000000e+07 : f32
      %sub3A_357 = arith.subf %select_n3A_348, %sub3A_356 : f32
      %jit3A_358 = arith.constant 0.000000e+00 : f32
      %select_n3A_359 = arith.select %eq3A_355, %jit3A_358, %sub3A_357 : f32
      %eq3A_360 = arith.constant 15 : i32
      %eq3A_361 = vector.broadcast %eq3A_360 : i32 to vector<16xi32>
      %eq3A_362 = arith.cmpi eq, %iota3A, %eq3A_361 : vector<16xi32>
      %broadcast_in_dim3A_363 = vector.broadcast %select_n3A_359 : f32 to vector<16xf32>
      %select_n3A_364 = arith.select %eq3A_362, %broadcast_in_dim3A_363, %select_n3A_353 : vector<16xi1>, vector<16xf32>
      %swap3A = arith.constant 0 : index
      %swap3A_365 = tpu.vector_load %arg5[%swap3A] {strides = array<i32>} : memref<32xf32, #tpu.memory_space<vmem>>, vector<16xf32>,
      tpu.vector_store %arg5[%swap3A], %select_n3A_188 {strides = array<i32>} : memref<32xf32, #tpu.memory_space<vmem>>, vector<16xf32>,
      %swap3A_366 = arith.constant 16 : index
      %swap3A_367 = tpu.vector_load %arg5[%swap3A_366] {strides = array<i32>} : memref<32xf32, #tpu.memory_space<vmem>>, vector<16xf32>,
      tpu.vector_store %arg5[%swap3A_366], %select_n3A_364 {strides = array<i32>} : memref<32xf32, #tpu.memory_space<vmem>>, vector<16xf32>,
      "tpu.region"() ({
        %run_scoped3A = tpu.sem_alloc : memref<!tpu.dma_semaphore, #tpu.memory_space<semaphore_mem>>
        tpu.enqueue_dma source(%arg5 : memref<32xf32, #tpu.memory_space<vmem>>) target(%arg3 : memref<32xf32, #tpu.memory_space<hbm>>) target_semaphore(%run_scoped3A : memref<!tpu.dma_semaphore, #tpu.memory_space<semaphore_mem>>)
        tpu.wait_dma2 semaphore(%run_scoped3A : memref<!tpu.dma_semaphore, #tpu.memory_space<semaphore_mem>>) src(%arg5 : memref<32xf32, #tpu.memory_space<vmem>>) dst(%arg3 : memref<32xf32, #tpu.memory_space<hbm>>)
        tpu.yield
      }) : () -> ()
    } else {
    }
    return
  }
}

module attributes {stable_mosaic.version = 14 : i64} {
  func.func @_tc_min_body(%arg0: i32, %arg1: memref<1792x384xf32, #tpu.memory_space<vmem>>, %arg2: memref<384x768xbf16, #tpu.memory_space<vmem>>, %arg3: memref<1x768xf32, #tpu.memory_space<vmem>>, %arg4: memref<1x1x1xf32, #tpu.memory_space<smem>>) attributes {dimension_semantics = [#tpu.dimension_semantics<arbitrary>], iteration_bounds = array<i64: 14>, scalar_prefetch = 0 : i64, scratch_operands = 0 : i64, tpu.core_type = #tpu.core_type<tc>, window_params = [{transform_indices = @transform_0, window_bounds = array<i64: 1792, 384>}, {pipeline_mode = #tpu.pipeline_mode<synchronous>, transform_indices = @transform_1, window_bounds = array<i64: 384, 768>}, {pipeline_mode = #tpu.pipeline_mode<synchronous>, transform_indices = @transform_2, window_bounds = array<i64: 1, 768>}, {transform_indices = @transform_3, window_bounds = array<i64: 1, 1, 1>}]} {
    %get3A = arith.constant 0 : index
    %get3A_0 = arith.constant 0 : index
    %get3A_1 = vector.load %arg1[%get3A, %get3A_0] : memref<1792x384xf32, #tpu.memory_space<vmem>>, vector<1792x384xf32>
    %convert_element_type3A = arith.truncf %get3A_1 : vector<1792x384xf32> to vector<1792x384xbf16>
    %get3A_2 = arith.constant 0 : index
    %get3A_3 = arith.constant 0 : index
    %get3A_4 = vector.load %arg2[%get3A_2, %get3A_3] : memref<384x768xbf16, #tpu.memory_space<vmem>>, vector<384x768xbf16>
    %dot_general3A = arith.constant dense<0.000000e+00> : vector<1792x768xf32>
    %dot_general3A_5 = tpu.matmul %convert_element_type3A, %get3A_4, %dot_general3A {dimension_numbers = #tpu.dot_dimension_numbers<[1], [0], [0], [1], [0, 0, 1, 1], [], []>, transpose_lhs_hint = false} : vector<1792x384xbf16>, vector<384x768xbf16>, vector<1792x768xf32> -> vector<1792x768xf32>
    %get3A_6 = arith.constant 0 : index
    %get3A_7 = arith.constant 0 : index
    %get3A_8 = vector.load %arg3[%get3A_6, %get3A_7] : memref<1x768xf32, #tpu.memory_space<vmem>>, vector<1x768xf32>
    %add3A = vector.broadcast %get3A_8 : vector<1x768xf32> to vector<1792x768xf32>
    %add3A_9 = arith.addf %dot_general3A_5, %add3A : vector<1792x768xf32>
    %reduce_min3A = vector.shape_cast %add3A_9 : vector<1792x768xf32> to vector<1x1792x768xf32>
    %reduce_min3A_10 = arith.constant dense<0x7F800000> : vector<1xf32>
    %reduce_min3A_11 = vector.multi_reduction <minimumf>, %reduce_min3A, %reduce_min3A_10 [1, 2] : vector<1x1792x768xf32> to vector<1xf32>
    %reduce_min3A_12 = vector.shape_cast %reduce_min3A_11 : vector<1xf32> to vector<1x1x1xf32>
    %reduce_min3A_13 = vector.extract %reduce_min3A_12[0, 0, 0] : f32 from vector<1x1x1xf32>
    %swap3A = arith.constant 0 : index
    %swap3A_14 = arith.constant 0 : index
    %swap3A_15 = arith.constant 0 : index
    %swap3A_16 = memref.load %arg4[%swap3A, %swap3A_14, %swap3A_15] : memref<1x1x1xf32, #tpu.memory_space<smem>>
    memref.store %reduce_min3A_13, %arg4[%swap3A, %swap3A_14, %swap3A_15] : memref<1x1x1xf32, #tpu.memory_space<smem>>
    return
  }
  func.func @transform_0(%arg0: i32) -> (i32, i32) {
    %c0_i32 = arith.constant 0 : i32
    %c0_i32_0 = arith.constant 0 : i32
    return %arg0, %c0_i32 : i32, i32
  }
  func.func @transform_1(%arg0: i32) -> (i32, i32) {
    %c0_i32 = arith.constant 0 : i32
    %c0_i32_0 = arith.constant 0 : i32
    %c0_i32_1 = arith.constant 0 : i32
    return %c0_i32, %c0_i32_0 : i32, i32
  }
  func.func @transform_2(%arg0: i32) -> (i32, i32) {
    %c0_i32 = arith.constant 0 : i32
    %c0_i32_0 = arith.constant 0 : i32
    %c0_i32_1 = arith.constant 0 : i32
    return %c0_i32, %c0_i32_0 : i32, i32
  }
  func.func @transform_3(%arg0: i32) -> (i32, i32, i32) {
    %c0_i32 = arith.constant 0 : i32
    %c0_i32_0 = arith.constant 0 : i32
    %c0_i32_1 = arith.constant 0 : i32
    return %arg0, %c0_i32, %c0_i32_0 : i32, i32, i32
  }
}

module attributes {stable_mosaic.version = 14 : i64} {
  func.func @_tc_abl_body(%arg0: i32, %arg1: memref<1792x384xf32, #tpu.memory_space<vmem>>, %arg2: memref<384x768xbf16, #tpu.memory_space<vmem>>, %arg3: memref<1x768xf32, #tpu.memory_space<vmem>>, %arg4: memref<1x32xf32, #tpu.memory_space<smem>>, %arg5: memref<1x32xi32, #tpu.memory_space<smem>>, %arg6: memref<1792x768xf32, #tpu.memory_space<vmem>>) attributes {dimension_semantics = [#tpu.dimension_semantics<arbitrary>], iteration_bounds = array<i64: 14>, scalar_prefetch = 0 : i64, scratch_operands = 0 : i64, tpu.core_type = #tpu.core_type<tc>, window_params = [{transform_indices = @transform_0, window_bounds = array<i64: 1792, 384>}, {pipeline_mode = #tpu.pipeline_mode<synchronous>, transform_indices = @transform_1, window_bounds = array<i64: 384, 768>}, {pipeline_mode = #tpu.pipeline_mode<synchronous>, transform_indices = @transform_2, window_bounds = array<i64: 1, 768>}, {transform_indices = @transform_3, window_bounds = array<i64: 1, 32>}, {transform_indices = @transform_4, window_bounds = array<i64: 1, 32>}, {transform_indices = @transform_5, window_bounds = array<i64: 1792, 768>}]} {
    %get3A = arith.constant 0 : index
    %get3A_0 = arith.constant 0 : index
    %get3A_1 = vector.load %arg1[%get3A, %get3A_0] : memref<1792x384xf32, #tpu.memory_space<vmem>>, vector<1792x384xf32>
    %convert_element_type3A = arith.truncf %get3A_1 : vector<1792x384xf32> to vector<1792x384xbf16>
    %get3A_2 = arith.constant 0 : index
    %get3A_3 = arith.constant 0 : index
    %get3A_4 = vector.load %arg2[%get3A_2, %get3A_3] : memref<384x768xbf16, #tpu.memory_space<vmem>>, vector<384x768xbf16>
    %dot_general3A = arith.constant dense<0.000000e+00> : vector<1792x768xf32>
    %dot_general3A_5 = tpu.matmul %convert_element_type3A, %get3A_4, %dot_general3A {dimension_numbers = #tpu.dot_dimension_numbers<[1], [0], [0], [1], [0, 0, 1, 1], [], []>, transpose_lhs_hint = false} : vector<1792x384xbf16>, vector<384x768xbf16>, vector<1792x768xf32> -> vector<1792x768xf32>
    %get3A_6 = arith.constant 0 : index
    %get3A_7 = arith.constant 0 : index
    %get3A_8 = vector.load %arg3[%get3A_6, %get3A_7] : memref<1x768xf32, #tpu.memory_space<vmem>>, vector<1x768xf32>
    %add3A = vector.broadcast %get3A_8 : vector<1x768xf32> to vector<1792x768xf32>
    %add3A_9 = arith.addf %dot_general3A_5, %add3A : vector<1792x768xf32>
    %iota3A = tpu.iota {dimensions = array<i32: 0>} : vector<32x1xi32>
    %broadcast_in_dim3A = arith.constant 0.000000e+00 : f32
    %broadcast_in_dim3A_10 = vector.broadcast %broadcast_in_dim3A : f32 to vector<32x1xf32>
    %broadcast_in_dim3A_11 = arith.constant -1 : i32
    %broadcast_in_dim3A_12 = vector.broadcast %broadcast_in_dim3A_11 : i32 to vector<32x1xi32>
    %eq3A = arith.constant 0 : i32
    %eq3A_13 = vector.broadcast %eq3A : i32 to vector<32x1xi32>
    %eq3A_14 = arith.cmpi eq, %iota3A, %eq3A_13 : vector<32x1xi32>
    %get3A_15 = arith.constant 0 : index
    %get3A_16 = arith.constant 0 : index
    %get3A_17 = memref.load %arg4[%get3A_15, %get3A_16] : memref<1x32xf32, #tpu.memory_space<smem>>
    %broadcast_in_dim3A_18 = vector.broadcast %get3A_17 : f32 to vector<32x1xf32>
    %select_n3A = arith.select %eq3A_14, %broadcast_in_dim3A_18, %broadcast_in_dim3A_10 : vector<32x1xi1>, vector<32x1xf32>
    %eq3A_19 = arith.constant 0 : i32
    %eq3A_20 = vector.broadcast %eq3A_19 : i32 to vector<32x1xi32>
    %eq3A_21 = arith.cmpi eq, %iota3A, %eq3A_20 : vector<32x1xi32>
    %get3A_22 = arith.constant 0 : index
    %get3A_23 = arith.constant 0 : index
    %get3A_24 = memref.load %arg5[%get3A_22, %get3A_23] : memref<1x32xi32, #tpu.memory_space<smem>>
    %broadcast_in_dim3A_25 = vector.broadcast %get3A_24 : i32 to vector<32x1xi32>
    %select_n3A_26 = arith.select %eq3A_21, %broadcast_in_dim3A_25, %broadcast_in_dim3A_12 : vector<32x1xi1>, vector<32x1xi32>
    %eq3A_27 = arith.constant 1 : i32
    %eq3A_28 = vector.broadcast %eq3A_27 : i32 to vector<32x1xi32>
    %eq3A_29 = arith.cmpi eq, %iota3A, %eq3A_28 : vector<32x1xi32>
    %get3A_30 = arith.constant 0 : index
    %get3A_31 = arith.constant 1 : index
    %get3A_32 = memref.load %arg4[%get3A_30, %get3A_31] : memref<1x32xf32, #tpu.memory_space<smem>>
    %broadcast_in_dim3A_33 = vector.broadcast %get3A_32 : f32 to vector<32x1xf32>
    %select_n3A_34 = arith.select %eq3A_29, %broadcast_in_dim3A_33, %select_n3A : vector<32x1xi1>, vector<32x1xf32>
    %eq3A_35 = arith.constant 1 : i32
    %eq3A_36 = vector.broadcast %eq3A_35 : i32 to vector<32x1xi32>
    %eq3A_37 = arith.cmpi eq, %iota3A, %eq3A_36 : vector<32x1xi32>
    %get3A_38 = arith.constant 0 : index
    %get3A_39 = arith.constant 1 : index
    %get3A_40 = memref.load %arg5[%get3A_38, %get3A_39] : memref<1x32xi32, #tpu.memory_space<smem>>
    %broadcast_in_dim3A_41 = vector.broadcast %get3A_40 : i32 to vector<32x1xi32>
    %select_n3A_42 = arith.select %eq3A_37, %broadcast_in_dim3A_41, %select_n3A_26 : vector<32x1xi1>, vector<32x1xi32>
    %eq3A_43 = arith.constant 2 : i32
    %eq3A_44 = vector.broadcast %eq3A_43 : i32 to vector<32x1xi32>
    %eq3A_45 = arith.cmpi eq, %iota3A, %eq3A_44 : vector<32x1xi32>
    %get3A_46 = arith.constant 0 : index
    %get3A_47 = arith.constant 2 : index
    %get3A_48 = memref.load %arg4[%get3A_46, %get3A_47] : memref<1x32xf32, #tpu.memory_space<smem>>
    %broadcast_in_dim3A_49 = vector.broadcast %get3A_48 : f32 to vector<32x1xf32>
    %select_n3A_50 = arith.select %eq3A_45, %broadcast_in_dim3A_49, %select_n3A_34 : vector<32x1xi1>, vector<32x1xf32>
    %eq3A_51 = arith.constant 2 : i32
    %eq3A_52 = vector.broadcast %eq3A_51 : i32 to vector<32x1xi32>
    %eq3A_53 = arith.cmpi eq, %iota3A, %eq3A_52 : vector<32x1xi32>
    %get3A_54 = arith.constant 0 : index
    %get3A_55 = arith.constant 2 : index
    %get3A_56 = memref.load %arg5[%get3A_54, %get3A_55] : memref<1x32xi32, #tpu.memory_space<smem>>
    %broadcast_in_dim3A_57 = vector.broadcast %get3A_56 : i32 to vector<32x1xi32>
    %select_n3A_58 = arith.select %eq3A_53, %broadcast_in_dim3A_57, %select_n3A_42 : vector<32x1xi1>, vector<32x1xi32>
    %eq3A_59 = arith.constant 3 : i32
    %eq3A_60 = vector.broadcast %eq3A_59 : i32 to vector<32x1xi32>
    %eq3A_61 = arith.cmpi eq, %iota3A, %eq3A_60 : vector<32x1xi32>
    %get3A_62 = arith.constant 0 : index
    %get3A_63 = arith.constant 3 : index
    %get3A_64 = memref.load %arg4[%get3A_62, %get3A_63] : memref<1x32xf32, #tpu.memory_space<smem>>
    %broadcast_in_dim3A_65 = vector.broadcast %get3A_64 : f32 to vector<32x1xf32>
    %select_n3A_66 = arith.select %eq3A_61, %broadcast_in_dim3A_65, %select_n3A_50 : vector<32x1xi1>, vector<32x1xf32>
    %eq3A_67 = arith.constant 3 : i32
    %eq3A_68 = vector.broadcast %eq3A_67 : i32 to vector<32x1xi32>
    %eq3A_69 = arith.cmpi eq, %iota3A, %eq3A_68 : vector<32x1xi32>
    %get3A_70 = arith.constant 0 : index
    %get3A_71 = arith.constant 3 : index
    %get3A_72 = memref.load %arg5[%get3A_70, %get3A_71] : memref<1x32xi32, #tpu.memory_space<smem>>
    %broadcast_in_dim3A_73 = vector.broadcast %get3A_72 : i32 to vector<32x1xi32>
    %select_n3A_74 = arith.select %eq3A_69, %broadcast_in_dim3A_73, %select_n3A_58 : vector<32x1xi1>, vector<32x1xi32>
    %eq3A_75 = arith.constant 4 : i32
    %eq3A_76 = vector.broadcast %eq3A_75 : i32 to vector<32x1xi32>
    %eq3A_77 = arith.cmpi eq, %iota3A, %eq3A_76 : vector<32x1xi32>
    %get3A_78 = arith.constant 0 : index
    %get3A_79 = arith.constant 4 : index
    %get3A_80 = memref.load %arg4[%get3A_78, %get3A_79] : memref<1x32xf32, #tpu.memory_space<smem>>
    %broadcast_in_dim3A_81 = vector.broadcast %get3A_80 : f32 to vector<32x1xf32>
    %select_n3A_82 = arith.select %eq3A_77, %broadcast_in_dim3A_81, %select_n3A_66 : vector<32x1xi1>, vector<32x1xf32>
    %eq3A_83 = arith.constant 4 : i32
    %eq3A_84 = vector.broadcast %eq3A_83 : i32 to vector<32x1xi32>
    %eq3A_85 = arith.cmpi eq, %iota3A, %eq3A_84 : vector<32x1xi32>
    %get3A_86 = arith.constant 0 : index
    %get3A_87 = arith.constant 4 : index
    %get3A_88 = memref.load %arg5[%get3A_86, %get3A_87] : memref<1x32xi32, #tpu.memory_space<smem>>
    %broadcast_in_dim3A_89 = vector.broadcast %get3A_88 : i32 to vector<32x1xi32>
    %select_n3A_90 = arith.select %eq3A_85, %broadcast_in_dim3A_89, %select_n3A_74 : vector<32x1xi1>, vector<32x1xi32>
    %eq3A_91 = arith.constant 5 : i32
    %eq3A_92 = vector.broadcast %eq3A_91 : i32 to vector<32x1xi32>
    %eq3A_93 = arith.cmpi eq, %iota3A, %eq3A_92 : vector<32x1xi32>
    %get3A_94 = arith.constant 0 : index
    %get3A_95 = arith.constant 5 : index
    %get3A_96 = memref.load %arg4[%get3A_94, %get3A_95] : memref<1x32xf32, #tpu.memory_space<smem>>
    %broadcast_in_dim3A_97 = vector.broadcast %get3A_96 : f32 to vector<32x1xf32>
    %select_n3A_98 = arith.select %eq3A_93, %broadcast_in_dim3A_97, %select_n3A_82 : vector<32x1xi1>, vector<32x1xf32>
    %eq3A_99 = arith.constant 5 : i32
    %eq3A_100 = vector.broadcast %eq3A_99 : i32 to vector<32x1xi32>
    %eq3A_101 = arith.cmpi eq, %iota3A, %eq3A_100 : vector<32x1xi32>
    %get3A_102 = arith.constant 0 : index
    %get3A_103 = arith.constant 5 : index
    %get3A_104 = memref.load %arg5[%get3A_102, %get3A_103] : memref<1x32xi32, #tpu.memory_space<smem>>
    %broadcast_in_dim3A_105 = vector.broadcast %get3A_104 : i32 to vector<32x1xi32>
    %select_n3A_106 = arith.select %eq3A_101, %broadcast_in_dim3A_105, %select_n3A_90 : vector<32x1xi1>, vector<32x1xi32>
    %eq3A_107 = arith.constant 6 : i32
    %eq3A_108 = vector.broadcast %eq3A_107 : i32 to vector<32x1xi32>
    %eq3A_109 = arith.cmpi eq, %iota3A, %eq3A_108 : vector<32x1xi32>
    %get3A_110 = arith.constant 0 : index
    %get3A_111 = arith.constant 6 : index
    %get3A_112 = memref.load %arg4[%get3A_110, %get3A_111] : memref<1x32xf32, #tpu.memory_space<smem>>
    %broadcast_in_dim3A_113 = vector.broadcast %get3A_112 : f32 to vector<32x1xf32>
    %select_n3A_114 = arith.select %eq3A_109, %broadcast_in_dim3A_113, %select_n3A_98 : vector<32x1xi1>, vector<32x1xf32>
    %eq3A_115 = arith.constant 6 : i32
    %eq3A_116 = vector.broadcast %eq3A_115 : i32 to vector<32x1xi32>
    %eq3A_117 = arith.cmpi eq, %iota3A, %eq3A_116 : vector<32x1xi32>
    %get3A_118 = arith.constant 0 : index
    %get3A_119 = arith.constant 6 : index
    %get3A_120 = memref.load %arg5[%get3A_118, %get3A_119] : memref<1x32xi32, #tpu.memory_space<smem>>
    %broadcast_in_dim3A_121 = vector.broadcast %get3A_120 : i32 to vector<32x1xi32>
    %select_n3A_122 = arith.select %eq3A_117, %broadcast_in_dim3A_121, %select_n3A_106 : vector<32x1xi1>, vector<32x1xi32>
    %eq3A_123 = arith.constant 7 : i32
    %eq3A_124 = vector.broadcast %eq3A_123 : i32 to vector<32x1xi32>
    %eq3A_125 = arith.cmpi eq, %iota3A, %eq3A_124 : vector<32x1xi32>
    %get3A_126 = arith.constant 0 : index
    %get3A_127 = arith.constant 7 : index
    %get3A_128 = memref.load %arg4[%get3A_126, %get3A_127] : memref<1x32xf32, #tpu.memory_space<smem>>
    %broadcast_in_dim3A_129 = vector.broadcast %get3A_128 : f32 to vector<32x1xf32>
    %select_n3A_130 = arith.select %eq3A_125, %broadcast_in_dim3A_129, %select_n3A_114 : vector<32x1xi1>, vector<32x1xf32>
    %eq3A_131 = arith.constant 7 : i32
    %eq3A_132 = vector.broadcast %eq3A_131 : i32 to vector<32x1xi32>
    %eq3A_133 = arith.cmpi eq, %iota3A, %eq3A_132 : vector<32x1xi32>
    %get3A_134 = arith.constant 0 : index
    %get3A_135 = arith.constant 7 : index
    %get3A_136 = memref.load %arg5[%get3A_134, %get3A_135] : memref<1x32xi32, #tpu.memory_space<smem>>
    %broadcast_in_dim3A_137 = vector.broadcast %get3A_136 : i32 to vector<32x1xi32>
    %select_n3A_138 = arith.select %eq3A_133, %broadcast_in_dim3A_137, %select_n3A_122 : vector<32x1xi1>, vector<32x1xi32>
    %eq3A_139 = arith.constant 8 : i32
    %eq3A_140 = vector.broadcast %eq3A_139 : i32 to vector<32x1xi32>
    %eq3A_141 = arith.cmpi eq, %iota3A, %eq3A_140 : vector<32x1xi32>
    %get3A_142 = arith.constant 0 : index
    %get3A_143 = arith.constant 8 : index
    %get3A_144 = memref.load %arg4[%get3A_142, %get3A_143] : memref<1x32xf32, #tpu.memory_space<smem>>
    %broadcast_in_dim3A_145 = vector.broadcast %get3A_144 : f32 to vector<32x1xf32>
    %select_n3A_146 = arith.select %eq3A_141, %broadcast_in_dim3A_145, %select_n3A_130 : vector<32x1xi1>, vector<32x1xf32>
    %eq3A_147 = arith.constant 8 : i32
    %eq3A_148 = vector.broadcast %eq3A_147 : i32 to vector<32x1xi32>
    %eq3A_149 = arith.cmpi eq, %iota3A, %eq3A_148 : vector<32x1xi32>
    %get3A_150 = arith.constant 0 : index
    %get3A_151 = arith.constant 8 : index
    %get3A_152 = memref.load %arg5[%get3A_150, %get3A_151] : memref<1x32xi32, #tpu.memory_space<smem>>
    %broadcast_in_dim3A_153 = vector.broadcast %get3A_152 : i32 to vector<32x1xi32>
    %select_n3A_154 = arith.select %eq3A_149, %broadcast_in_dim3A_153, %select_n3A_138 : vector<32x1xi1>, vector<32x1xi32>
    %eq3A_155 = arith.constant 9 : i32
    %eq3A_156 = vector.broadcast %eq3A_155 : i32 to vector<32x1xi32>
    %eq3A_157 = arith.cmpi eq, %iota3A, %eq3A_156 : vector<32x1xi32>
    %get3A_158 = arith.constant 0 : index
    %get3A_159 = arith.constant 9 : index
    %get3A_160 = memref.load %arg4[%get3A_158, %get3A_159] : memref<1x32xf32, #tpu.memory_space<smem>>
    %broadcast_in_dim3A_161 = vector.broadcast %get3A_160 : f32 to vector<32x1xf32>
    %select_n3A_162 = arith.select %eq3A_157, %broadcast_in_dim3A_161, %select_n3A_146 : vector<32x1xi1>, vector<32x1xf32>
    %eq3A_163 = arith.constant 9 : i32
    %eq3A_164 = vector.broadcast %eq3A_163 : i32 to vector<32x1xi32>
    %eq3A_165 = arith.cmpi eq, %iota3A, %eq3A_164 : vector<32x1xi32>
    %get3A_166 = arith.constant 0 : index
    %get3A_167 = arith.constant 9 : index
    %get3A_168 = memref.load %arg5[%get3A_166, %get3A_167] : memref<1x32xi32, #tpu.memory_space<smem>>
    %broadcast_in_dim3A_169 = vector.broadcast %get3A_168 : i32 to vector<32x1xi32>
    %select_n3A_170 = arith.select %eq3A_165, %broadcast_in_dim3A_169, %select_n3A_154 : vector<32x1xi1>, vector<32x1xi32>
    %eq3A_171 = arith.constant 10 : i32
    %eq3A_172 = vector.broadcast %eq3A_171 : i32 to vector<32x1xi32>
    %eq3A_173 = arith.cmpi eq, %iota3A, %eq3A_172 : vector<32x1xi32>
    %get3A_174 = arith.constant 0 : index
    %get3A_175 = arith.constant 10 : index
    %get3A_176 = memref.load %arg4[%get3A_174, %get3A_175] : memref<1x32xf32, #tpu.memory_space<smem>>
    %broadcast_in_dim3A_177 = vector.broadcast %get3A_176 : f32 to vector<32x1xf32>
    %select_n3A_178 = arith.select %eq3A_173, %broadcast_in_dim3A_177, %select_n3A_162 : vector<32x1xi1>, vector<32x1xf32>
    %eq3A_179 = arith.constant 10 : i32
    %eq3A_180 = vector.broadcast %eq3A_179 : i32 to vector<32x1xi32>
    %eq3A_181 = arith.cmpi eq, %iota3A, %eq3A_180 : vector<32x1xi32>
    %get3A_182 = arith.constant 0 : index
    %get3A_183 = arith.constant 10 : index
    %get3A_184 = memref.load %arg5[%get3A_182, %get3A_183] : memref<1x32xi32, #tpu.memory_space<smem>>
    %broadcast_in_dim3A_185 = vector.broadcast %get3A_184 : i32 to vector<32x1xi32>
    %select_n3A_186 = arith.select %eq3A_181, %broadcast_in_dim3A_185, %select_n3A_170 : vector<32x1xi1>, vector<32x1xi32>
    %eq3A_187 = arith.constant 11 : i32
    %eq3A_188 = vector.broadcast %eq3A_187 : i32 to vector<32x1xi32>
    %eq3A_189 = arith.cmpi eq, %iota3A, %eq3A_188 : vector<32x1xi32>
    %get3A_190 = arith.constant 0 : index
    %get3A_191 = arith.constant 11 : index
    %get3A_192 = memref.load %arg4[%get3A_190, %get3A_191] : memref<1x32xf32, #tpu.memory_space<smem>>
    %broadcast_in_dim3A_193 = vector.broadcast %get3A_192 : f32 to vector<32x1xf32>
    %select_n3A_194 = arith.select %eq3A_189, %broadcast_in_dim3A_193, %select_n3A_178 : vector<32x1xi1>, vector<32x1xf32>
    %eq3A_195 = arith.constant 11 : i32
    %eq3A_196 = vector.broadcast %eq3A_195 : i32 to vector<32x1xi32>
    %eq3A_197 = arith.cmpi eq, %iota3A, %eq3A_196 : vector<32x1xi32>
    %get3A_198 = arith.constant 0 : index
    %get3A_199 = arith.constant 11 : index
    %get3A_200 = memref.load %arg5[%get3A_198, %get3A_199] : memref<1x32xi32, #tpu.memory_space<smem>>
    %broadcast_in_dim3A_201 = vector.broadcast %get3A_200 : i32 to vector<32x1xi32>
    %select_n3A_202 = arith.select %eq3A_197, %broadcast_in_dim3A_201, %select_n3A_186 : vector<32x1xi1>, vector<32x1xi32>
    %eq3A_203 = arith.constant 12 : i32
    %eq3A_204 = vector.broadcast %eq3A_203 : i32 to vector<32x1xi32>
    %eq3A_205 = arith.cmpi eq, %iota3A, %eq3A_204 : vector<32x1xi32>
    %get3A_206 = arith.constant 0 : index
    %get3A_207 = arith.constant 12 : index
    %get3A_208 = memref.load %arg4[%get3A_206, %get3A_207] : memref<1x32xf32, #tpu.memory_space<smem>>
    %broadcast_in_dim3A_209 = vector.broadcast %get3A_208 : f32 to vector<32x1xf32>
    %select_n3A_210 = arith.select %eq3A_205, %broadcast_in_dim3A_209, %select_n3A_194 : vector<32x1xi1>, vector<32x1xf32>
    %eq3A_211 = arith.constant 12 : i32
    %eq3A_212 = vector.broadcast %eq3A_211 : i32 to vector<32x1xi32>
    %eq3A_213 = arith.cmpi eq, %iota3A, %eq3A_212 : vector<32x1xi32>
    %get3A_214 = arith.constant 0 : index
    %get3A_215 = arith.constant 12 : index
    %get3A_216 = memref.load %arg5[%get3A_214, %get3A_215] : memref<1x32xi32, #tpu.memory_space<smem>>
    %broadcast_in_dim3A_217 = vector.broadcast %get3A_216 : i32 to vector<32x1xi32>
    %select_n3A_218 = arith.select %eq3A_213, %broadcast_in_dim3A_217, %select_n3A_202 : vector<32x1xi1>, vector<32x1xi32>
    %eq3A_219 = arith.constant 13 : i32
    %eq3A_220 = vector.broadcast %eq3A_219 : i32 to vector<32x1xi32>
    %eq3A_221 = arith.cmpi eq, %iota3A, %eq3A_220 : vector<32x1xi32>
    %get3A_222 = arith.constant 0 : index
    %get3A_223 = arith.constant 13 : index
    %get3A_224 = memref.load %arg4[%get3A_222, %get3A_223] : memref<1x32xf32, #tpu.memory_space<smem>>
    %broadcast_in_dim3A_225 = vector.broadcast %get3A_224 : f32 to vector<32x1xf32>
    %select_n3A_226 = arith.select %eq3A_221, %broadcast_in_dim3A_225, %select_n3A_210 : vector<32x1xi1>, vector<32x1xf32>
    %eq3A_227 = arith.constant 13 : i32
    %eq3A_228 = vector.broadcast %eq3A_227 : i32 to vector<32x1xi32>
    %eq3A_229 = arith.cmpi eq, %iota3A, %eq3A_228 : vector<32x1xi32>
    %get3A_230 = arith.constant 0 : index
    %get3A_231 = arith.constant 13 : index
    %get3A_232 = memref.load %arg5[%get3A_230, %get3A_231] : memref<1x32xi32, #tpu.memory_space<smem>>
    %broadcast_in_dim3A_233 = vector.broadcast %get3A_232 : i32 to vector<32x1xi32>
    %select_n3A_234 = arith.select %eq3A_229, %broadcast_in_dim3A_233, %select_n3A_218 : vector<32x1xi1>, vector<32x1xi32>
    %eq3A_235 = arith.constant 14 : i32
    %eq3A_236 = vector.broadcast %eq3A_235 : i32 to vector<32x1xi32>
    %eq3A_237 = arith.cmpi eq, %iota3A, %eq3A_236 : vector<32x1xi32>
    %get3A_238 = arith.constant 0 : index
    %get3A_239 = arith.constant 14 : index
    %get3A_240 = memref.load %arg4[%get3A_238, %get3A_239] : memref<1x32xf32, #tpu.memory_space<smem>>
    %broadcast_in_dim3A_241 = vector.broadcast %get3A_240 : f32 to vector<32x1xf32>
    %select_n3A_242 = arith.select %eq3A_237, %broadcast_in_dim3A_241, %select_n3A_226 : vector<32x1xi1>, vector<32x1xf32>
    %eq3A_243 = arith.constant 14 : i32
    %eq3A_244 = vector.broadcast %eq3A_243 : i32 to vector<32x1xi32>
    %eq3A_245 = arith.cmpi eq, %iota3A, %eq3A_244 : vector<32x1xi32>
    %get3A_246 = arith.constant 0 : index
    %get3A_247 = arith.constant 14 : index
    %get3A_248 = memref.load %arg5[%get3A_246, %get3A_247] : memref<1x32xi32, #tpu.memory_space<smem>>
    %broadcast_in_dim3A_249 = vector.broadcast %get3A_248 : i32 to vector<32x1xi32>
    %select_n3A_250 = arith.select %eq3A_245, %broadcast_in_dim3A_249, %select_n3A_234 : vector<32x1xi1>, vector<32x1xi32>
    %eq3A_251 = arith.constant 15 : i32
    %eq3A_252 = vector.broadcast %eq3A_251 : i32 to vector<32x1xi32>
    %eq3A_253 = arith.cmpi eq, %iota3A, %eq3A_252 : vector<32x1xi32>
    %get3A_254 = arith.constant 0 : index
    %get3A_255 = arith.constant 15 : index
    %get3A_256 = memref.load %arg4[%get3A_254, %get3A_255] : memref<1x32xf32, #tpu.memory_space<smem>>
    %broadcast_in_dim3A_257 = vector.broadcast %get3A_256 : f32 to vector<32x1xf32>
    %select_n3A_258 = arith.select %eq3A_253, %broadcast_in_dim3A_257, %select_n3A_242 : vector<32x1xi1>, vector<32x1xf32>
    %eq3A_259 = arith.constant 15 : i32
    %eq3A_260 = vector.broadcast %eq3A_259 : i32 to vector<32x1xi32>
    %eq3A_261 = arith.cmpi eq, %iota3A, %eq3A_260 : vector<32x1xi32>
    %get3A_262 = arith.constant 0 : index
    %get3A_263 = arith.constant 15 : index
    %get3A_264 = memref.load %arg5[%get3A_262, %get3A_263] : memref<1x32xi32, #tpu.memory_space<smem>>
    %broadcast_in_dim3A_265 = vector.broadcast %get3A_264 : i32 to vector<32x1xi32>
    %select_n3A_266 = arith.select %eq3A_261, %broadcast_in_dim3A_265, %select_n3A_250 : vector<32x1xi1>, vector<32x1xi32>
    %eq3A_267 = arith.constant 16 : i32
    %eq3A_268 = vector.broadcast %eq3A_267 : i32 to vector<32x1xi32>
    %eq3A_269 = arith.cmpi eq, %iota3A, %eq3A_268 : vector<32x1xi32>
    %get3A_270 = arith.constant 0 : index
    %get3A_271 = arith.constant 16 : index
    %get3A_272 = memref.load %arg4[%get3A_270, %get3A_271] : memref<1x32xf32, #tpu.memory_space<smem>>
    %broadcast_in_dim3A_273 = vector.broadcast %get3A_272 : f32 to vector<32x1xf32>
    %select_n3A_274 = arith.select %eq3A_269, %broadcast_in_dim3A_273, %select_n3A_258 : vector<32x1xi1>, vector<32x1xf32>
    %eq3A_275 = arith.constant 16 : i32
    %eq3A_276 = vector.broadcast %eq3A_275 : i32 to vector<32x1xi32>
    %eq3A_277 = arith.cmpi eq, %iota3A, %eq3A_276 : vector<32x1xi32>
    %get3A_278 = arith.constant 0 : index
    %get3A_279 = arith.constant 16 : index
    %get3A_280 = memref.load %arg5[%get3A_278, %get3A_279] : memref<1x32xi32, #tpu.memory_space<smem>>
    %broadcast_in_dim3A_281 = vector.broadcast %get3A_280 : i32 to vector<32x1xi32>
    %select_n3A_282 = arith.select %eq3A_277, %broadcast_in_dim3A_281, %select_n3A_266 : vector<32x1xi1>, vector<32x1xi32>
    %eq3A_283 = arith.constant 17 : i32
    %eq3A_284 = vector.broadcast %eq3A_283 : i32 to vector<32x1xi32>
    %eq3A_285 = arith.cmpi eq, %iota3A, %eq3A_284 : vector<32x1xi32>
    %get3A_286 = arith.constant 0 : index
    %get3A_287 = arith.constant 17 : index
    %get3A_288 = memref.load %arg4[%get3A_286, %get3A_287] : memref<1x32xf32, #tpu.memory_space<smem>>
    %broadcast_in_dim3A_289 = vector.broadcast %get3A_288 : f32 to vector<32x1xf32>
    %select_n3A_290 = arith.select %eq3A_285, %broadcast_in_dim3A_289, %select_n3A_274 : vector<32x1xi1>, vector<32x1xf32>
    %eq3A_291 = arith.constant 17 : i32
    %eq3A_292 = vector.broadcast %eq3A_291 : i32 to vector<32x1xi32>
    %eq3A_293 = arith.cmpi eq, %iota3A, %eq3A_292 : vector<32x1xi32>
    %get3A_294 = arith.constant 0 : index
    %get3A_295 = arith.constant 17 : index
    %get3A_296 = memref.load %arg5[%get3A_294, %get3A_295] : memref<1x32xi32, #tpu.memory_space<smem>>
    %broadcast_in_dim3A_297 = vector.broadcast %get3A_296 : i32 to vector<32x1xi32>
    %select_n3A_298 = arith.select %eq3A_293, %broadcast_in_dim3A_297, %select_n3A_282 : vector<32x1xi1>, vector<32x1xi32>
    %eq3A_299 = arith.constant 18 : i32
    %eq3A_300 = vector.broadcast %eq3A_299 : i32 to vector<32x1xi32>
    %eq3A_301 = arith.cmpi eq, %iota3A, %eq3A_300 : vector<32x1xi32>
    %get3A_302 = arith.constant 0 : index
    %get3A_303 = arith.constant 18 : index
    %get3A_304 = memref.load %arg4[%get3A_302, %get3A_303] : memref<1x32xf32, #tpu.memory_space<smem>>
    %broadcast_in_dim3A_305 = vector.broadcast %get3A_304 : f32 to vector<32x1xf32>
    %select_n3A_306 = arith.select %eq3A_301, %broadcast_in_dim3A_305, %select_n3A_290 : vector<32x1xi1>, vector<32x1xf32>
    %eq3A_307 = arith.constant 18 : i32
    %eq3A_308 = vector.broadcast %eq3A_307 : i32 to vector<32x1xi32>
    %eq3A_309 = arith.cmpi eq, %iota3A, %eq3A_308 : vector<32x1xi32>
    %get3A_310 = arith.constant 0 : index
    %get3A_311 = arith.constant 18 : index
    %get3A_312 = memref.load %arg5[%get3A_310, %get3A_311] : memref<1x32xi32, #tpu.memory_space<smem>>
    %broadcast_in_dim3A_313 = vector.broadcast %get3A_312 : i32 to vector<32x1xi32>
    %select_n3A_314 = arith.select %eq3A_309, %broadcast_in_dim3A_313, %select_n3A_298 : vector<32x1xi1>, vector<32x1xi32>
    %eq3A_315 = arith.constant 19 : i32
    %eq3A_316 = vector.broadcast %eq3A_315 : i32 to vector<32x1xi32>
    %eq3A_317 = arith.cmpi eq, %iota3A, %eq3A_316 : vector<32x1xi32>
    %get3A_318 = arith.constant 0 : index
    %get3A_319 = arith.constant 19 : index
    %get3A_320 = memref.load %arg4[%get3A_318, %get3A_319] : memref<1x32xf32, #tpu.memory_space<smem>>
    %broadcast_in_dim3A_321 = vector.broadcast %get3A_320 : f32 to vector<32x1xf32>
    %select_n3A_322 = arith.select %eq3A_317, %broadcast_in_dim3A_321, %select_n3A_306 : vector<32x1xi1>, vector<32x1xf32>
    %eq3A_323 = arith.constant 19 : i32
    %eq3A_324 = vector.broadcast %eq3A_323 : i32 to vector<32x1xi32>
    %eq3A_325 = arith.cmpi eq, %iota3A, %eq3A_324 : vector<32x1xi32>
    %get3A_326 = arith.constant 0 : index
    %get3A_327 = arith.constant 19 : index
    %get3A_328 = memref.load %arg5[%get3A_326, %get3A_327] : memref<1x32xi32, #tpu.memory_space<smem>>
    %broadcast_in_dim3A_329 = vector.broadcast %get3A_328 : i32 to vector<32x1xi32>
    %select_n3A_330 = arith.select %eq3A_325, %broadcast_in_dim3A_329, %select_n3A_314 : vector<32x1xi1>, vector<32x1xi32>
    %eq3A_331 = arith.constant 20 : i32
    %eq3A_332 = vector.broadcast %eq3A_331 : i32 to vector<32x1xi32>
    %eq3A_333 = arith.cmpi eq, %iota3A, %eq3A_332 : vector<32x1xi32>
    %get3A_334 = arith.constant 0 : index
    %get3A_335 = arith.constant 20 : index
    %get3A_336 = memref.load %arg4[%get3A_334, %get3A_335] : memref<1x32xf32, #tpu.memory_space<smem>>
    %broadcast_in_dim3A_337 = vector.broadcast %get3A_336 : f32 to vector<32x1xf32>
    %select_n3A_338 = arith.select %eq3A_333, %broadcast_in_dim3A_337, %select_n3A_322 : vector<32x1xi1>, vector<32x1xf32>
    %eq3A_339 = arith.constant 20 : i32
    %eq3A_340 = vector.broadcast %eq3A_339 : i32 to vector<32x1xi32>
    %eq3A_341 = arith.cmpi eq, %iota3A, %eq3A_340 : vector<32x1xi32>
    %get3A_342 = arith.constant 0 : index
    %get3A_343 = arith.constant 20 : index
    %get3A_344 = memref.load %arg5[%get3A_342, %get3A_343] : memref<1x32xi32, #tpu.memory_space<smem>>
    %broadcast_in_dim3A_345 = vector.broadcast %get3A_344 : i32 to vector<32x1xi32>
    %select_n3A_346 = arith.select %eq3A_341, %broadcast_in_dim3A_345, %select_n3A_330 : vector<32x1xi1>, vector<32x1xi32>
    %eq3A_347 = arith.constant 21 : i32
    %eq3A_348 = vector.broadcast %eq3A_347 : i32 to vector<32x1xi32>
    %eq3A_349 = arith.cmpi eq, %iota3A, %eq3A_348 : vector<32x1xi32>
    %get3A_350 = arith.constant 0 : index
    %get3A_351 = arith.constant 21 : index
    %get3A_352 = memref.load %arg4[%get3A_350, %get3A_351] : memref<1x32xf32, #tpu.memory_space<smem>>
    %broadcast_in_dim3A_353 = vector.broadcast %get3A_352 : f32 to vector<32x1xf32>
    %select_n3A_354 = arith.select %eq3A_349, %broadcast_in_dim3A_353, %select_n3A_338 : vector<32x1xi1>, vector<32x1xf32>
    %eq3A_355 = arith.constant 21 : i32
    %eq3A_356 = vector.broadcast %eq3A_355 : i32 to vector<32x1xi32>
    %eq3A_357 = arith.cmpi eq, %iota3A, %eq3A_356 : vector<32x1xi32>
    %get3A_358 = arith.constant 0 : index
    %get3A_359 = arith.constant 21 : index
    %get3A_360 = memref.load %arg5[%get3A_358, %get3A_359] : memref<1x32xi32, #tpu.memory_space<smem>>
    %broadcast_in_dim3A_361 = vector.broadcast %get3A_360 : i32 to vector<32x1xi32>
    %select_n3A_362 = arith.select %eq3A_357, %broadcast_in_dim3A_361, %select_n3A_346 : vector<32x1xi1>, vector<32x1xi32>
    %eq3A_363 = arith.constant 22 : i32
    %eq3A_364 = vector.broadcast %eq3A_363 : i32 to vector<32x1xi32>
    %eq3A_365 = arith.cmpi eq, %iota3A, %eq3A_364 : vector<32x1xi32>
    %get3A_366 = arith.constant 0 : index
    %get3A_367 = arith.constant 22 : index
    %get3A_368 = memref.load %arg4[%get3A_366, %get3A_367] : memref<1x32xf32, #tpu.memory_space<smem>>
    %broadcast_in_dim3A_369 = vector.broadcast %get3A_368 : f32 to vector<32x1xf32>
    %select_n3A_370 = arith.select %eq3A_365, %broadcast_in_dim3A_369, %select_n3A_354 : vector<32x1xi1>, vector<32x1xf32>
    %eq3A_371 = arith.constant 22 : i32
    %eq3A_372 = vector.broadcast %eq3A_371 : i32 to vector<32x1xi32>
    %eq3A_373 = arith.cmpi eq, %iota3A, %eq3A_372 : vector<32x1xi32>
    %get3A_374 = arith.constant 0 : index
    %get3A_375 = arith.constant 22 : index
    %get3A_376 = memref.load %arg5[%get3A_374, %get3A_375] : memref<1x32xi32, #tpu.memory_space<smem>>
    %broadcast_in_dim3A_377 = vector.broadcast %get3A_376 : i32 to vector<32x1xi32>
    %select_n3A_378 = arith.select %eq3A_373, %broadcast_in_dim3A_377, %select_n3A_362 : vector<32x1xi1>, vector<32x1xi32>
    %eq3A_379 = arith.constant 23 : i32
    %eq3A_380 = vector.broadcast %eq3A_379 : i32 to vector<32x1xi32>
    %eq3A_381 = arith.cmpi eq, %iota3A, %eq3A_380 : vector<32x1xi32>
    %get3A_382 = arith.constant 0 : index
    %get3A_383 = arith.constant 23 : index
    %get3A_384 = memref.load %arg4[%get3A_382, %get3A_383] : memref<1x32xf32, #tpu.memory_space<smem>>
    %broadcast_in_dim3A_385 = vector.broadcast %get3A_384 : f32 to vector<32x1xf32>
    %select_n3A_386 = arith.select %eq3A_381, %broadcast_in_dim3A_385, %select_n3A_370 : vector<32x1xi1>, vector<32x1xf32>
    %eq3A_387 = arith.constant 23 : i32
    %eq3A_388 = vector.broadcast %eq3A_387 : i32 to vector<32x1xi32>
    %eq3A_389 = arith.cmpi eq, %iota3A, %eq3A_388 : vector<32x1xi32>
    %get3A_390 = arith.constant 0 : index
    %get3A_391 = arith.constant 23 : index
    %get3A_392 = memref.load %arg5[%get3A_390, %get3A_391] : memref<1x32xi32, #tpu.memory_space<smem>>
    %broadcast_in_dim3A_393 = vector.broadcast %get3A_392 : i32 to vector<32x1xi32>
    %select_n3A_394 = arith.select %eq3A_389, %broadcast_in_dim3A_393, %select_n3A_378 : vector<32x1xi1>, vector<32x1xi32>
    %eq3A_395 = arith.constant 24 : i32
    %eq3A_396 = vector.broadcast %eq3A_395 : i32 to vector<32x1xi32>
    %eq3A_397 = arith.cmpi eq, %iota3A, %eq3A_396 : vector<32x1xi32>
    %get3A_398 = arith.constant 0 : index
    %get3A_399 = arith.constant 24 : index
    %get3A_400 = memref.load %arg4[%get3A_398, %get3A_399] : memref<1x32xf32, #tpu.memory_space<smem>>
    %broadcast_in_dim3A_401 = vector.broadcast %get3A_400 : f32 to vector<32x1xf32>
    %select_n3A_402 = arith.select %eq3A_397, %broadcast_in_dim3A_401, %select_n3A_386 : vector<32x1xi1>, vector<32x1xf32>
    %eq3A_403 = arith.constant 24 : i32
    %eq3A_404 = vector.broadcast %eq3A_403 : i32 to vector<32x1xi32>
    %eq3A_405 = arith.cmpi eq, %iota3A, %eq3A_404 : vector<32x1xi32>
    %get3A_406 = arith.constant 0 : index
    %get3A_407 = arith.constant 24 : index
    %get3A_408 = memref.load %arg5[%get3A_406, %get3A_407] : memref<1x32xi32, #tpu.memory_space<smem>>
    %broadcast_in_dim3A_409 = vector.broadcast %get3A_408 : i32 to vector<32x1xi32>
    %select_n3A_410 = arith.select %eq3A_405, %broadcast_in_dim3A_409, %select_n3A_394 : vector<32x1xi1>, vector<32x1xi32>
    %eq3A_411 = arith.constant 25 : i32
    %eq3A_412 = vector.broadcast %eq3A_411 : i32 to vector<32x1xi32>
    %eq3A_413 = arith.cmpi eq, %iota3A, %eq3A_412 : vector<32x1xi32>
    %get3A_414 = arith.constant 0 : index
    %get3A_415 = arith.constant 25 : index
    %get3A_416 = memref.load %arg4[%get3A_414, %get3A_415] : memref<1x32xf32, #tpu.memory_space<smem>>
    %broadcast_in_dim3A_417 = vector.broadcast %get3A_416 : f32 to vector<32x1xf32>
    %select_n3A_418 = arith.select %eq3A_413, %broadcast_in_dim3A_417, %select_n3A_402 : vector<32x1xi1>, vector<32x1xf32>
    %eq3A_419 = arith.constant 25 : i32
    %eq3A_420 = vector.broadcast %eq3A_419 : i32 to vector<32x1xi32>
    %eq3A_421 = arith.cmpi eq, %iota3A, %eq3A_420 : vector<32x1xi32>
    %get3A_422 = arith.constant 0 : index
    %get3A_423 = arith.constant 25 : index
    %get3A_424 = memref.load %arg5[%get3A_422, %get3A_423] : memref<1x32xi32, #tpu.memory_space<smem>>
    %broadcast_in_dim3A_425 = vector.broadcast %get3A_424 : i32 to vector<32x1xi32>
    %select_n3A_426 = arith.select %eq3A_421, %broadcast_in_dim3A_425, %select_n3A_410 : vector<32x1xi1>, vector<32x1xi32>
    %eq3A_427 = arith.constant 26 : i32
    %eq3A_428 = vector.broadcast %eq3A_427 : i32 to vector<32x1xi32>
    %eq3A_429 = arith.cmpi eq, %iota3A, %eq3A_428 : vector<32x1xi32>
    %get3A_430 = arith.constant 0 : index
    %get3A_431 = arith.constant 26 : index
    %get3A_432 = memref.load %arg4[%get3A_430, %get3A_431] : memref<1x32xf32, #tpu.memory_space<smem>>
    %broadcast_in_dim3A_433 = vector.broadcast %get3A_432 : f32 to vector<32x1xf32>
    %select_n3A_434 = arith.select %eq3A_429, %broadcast_in_dim3A_433, %select_n3A_418 : vector<32x1xi1>, vector<32x1xf32>
    %eq3A_435 = arith.constant 26 : i32
    %eq3A_436 = vector.broadcast %eq3A_435 : i32 to vector<32x1xi32>
    %eq3A_437 = arith.cmpi eq, %iota3A, %eq3A_436 : vector<32x1xi32>
    %get3A_438 = arith.constant 0 : index
    %get3A_439 = arith.constant 26 : index
    %get3A_440 = memref.load %arg5[%get3A_438, %get3A_439] : memref<1x32xi32, #tpu.memory_space<smem>>
    %broadcast_in_dim3A_441 = vector.broadcast %get3A_440 : i32 to vector<32x1xi32>
    %select_n3A_442 = arith.select %eq3A_437, %broadcast_in_dim3A_441, %select_n3A_426 : vector<32x1xi1>, vector<32x1xi32>
    %eq3A_443 = arith.constant 27 : i32
    %eq3A_444 = vector.broadcast %eq3A_443 : i32 to vector<32x1xi32>
    %eq3A_445 = arith.cmpi eq, %iota3A, %eq3A_444 : vector<32x1xi32>
    %get3A_446 = arith.constant 0 : index
    %get3A_447 = arith.constant 27 : index
    %get3A_448 = memref.load %arg4[%get3A_446, %get3A_447] : memref<1x32xf32, #tpu.memory_space<smem>>
    %broadcast_in_dim3A_449 = vector.broadcast %get3A_448 : f32 to vector<32x1xf32>
    %select_n3A_450 = arith.select %eq3A_445, %broadcast_in_dim3A_449, %select_n3A_434 : vector<32x1xi1>, vector<32x1xf32>
    %eq3A_451 = arith.constant 27 : i32
    %eq3A_452 = vector.broadcast %eq3A_451 : i32 to vector<32x1xi32>
    %eq3A_453 = arith.cmpi eq, %iota3A, %eq3A_452 : vector<32x1xi32>
    %get3A_454 = arith.constant 0 : index
    %get3A_455 = arith.constant 27 : index
    %get3A_456 = memref.load %arg5[%get3A_454, %get3A_455] : memref<1x32xi32, #tpu.memory_space<smem>>
    %broadcast_in_dim3A_457 = vector.broadcast %get3A_456 : i32 to vector<32x1xi32>
    %select_n3A_458 = arith.select %eq3A_453, %broadcast_in_dim3A_457, %select_n3A_442 : vector<32x1xi1>, vector<32x1xi32>
    %eq3A_459 = arith.constant 28 : i32
    %eq3A_460 = vector.broadcast %eq3A_459 : i32 to vector<32x1xi32>
    %eq3A_461 = arith.cmpi eq, %iota3A, %eq3A_460 : vector<32x1xi32>
    %get3A_462 = arith.constant 0 : index
    %get3A_463 = arith.constant 28 : index
    %get3A_464 = memref.load %arg4[%get3A_462, %get3A_463] : memref<1x32xf32, #tpu.memory_space<smem>>
    %broadcast_in_dim3A_465 = vector.broadcast %get3A_464 : f32 to vector<32x1xf32>
    %select_n3A_466 = arith.select %eq3A_461, %broadcast_in_dim3A_465, %select_n3A_450 : vector<32x1xi1>, vector<32x1xf32>
    %eq3A_467 = arith.constant 28 : i32
    %eq3A_468 = vector.broadcast %eq3A_467 : i32 to vector<32x1xi32>
    %eq3A_469 = arith.cmpi eq, %iota3A, %eq3A_468 : vector<32x1xi32>
    %get3A_470 = arith.constant 0 : index
    %get3A_471 = arith.constant 28 : index
    %get3A_472 = memref.load %arg5[%get3A_470, %get3A_471] : memref<1x32xi32, #tpu.memory_space<smem>>
    %broadcast_in_dim3A_473 = vector.broadcast %get3A_472 : i32 to vector<32x1xi32>
    %select_n3A_474 = arith.select %eq3A_469, %broadcast_in_dim3A_473, %select_n3A_458 : vector<32x1xi1>, vector<32x1xi32>
    %eq3A_475 = arith.constant 29 : i32
    %eq3A_476 = vector.broadcast %eq3A_475 : i32 to vector<32x1xi32>
    %eq3A_477 = arith.cmpi eq, %iota3A, %eq3A_476 : vector<32x1xi32>
    %get3A_478 = arith.constant 0 : index
    %get3A_479 = arith.constant 29 : index
    %get3A_480 = memref.load %arg4[%get3A_478, %get3A_479] : memref<1x32xf32, #tpu.memory_space<smem>>
    %broadcast_in_dim3A_481 = vector.broadcast %get3A_480 : f32 to vector<32x1xf32>
    %select_n3A_482 = arith.select %eq3A_477, %broadcast_in_dim3A_481, %select_n3A_466 : vector<32x1xi1>, vector<32x1xf32>
    %eq3A_483 = arith.constant 29 : i32
    %eq3A_484 = vector.broadcast %eq3A_483 : i32 to vector<32x1xi32>
    %eq3A_485 = arith.cmpi eq, %iota3A, %eq3A_484 : vector<32x1xi32>
    %get3A_486 = arith.constant 0 : index
    %get3A_487 = arith.constant 29 : index
    %get3A_488 = memref.load %arg5[%get3A_486, %get3A_487] : memref<1x32xi32, #tpu.memory_space<smem>>
    %broadcast_in_dim3A_489 = vector.broadcast %get3A_488 : i32 to vector<32x1xi32>
    %select_n3A_490 = arith.select %eq3A_485, %broadcast_in_dim3A_489, %select_n3A_474 : vector<32x1xi1>, vector<32x1xi32>
    %eq3A_491 = arith.constant 30 : i32
    %eq3A_492 = vector.broadcast %eq3A_491 : i32 to vector<32x1xi32>
    %eq3A_493 = arith.cmpi eq, %iota3A, %eq3A_492 : vector<32x1xi32>
    %get3A_494 = arith.constant 0 : index
    %get3A_495 = arith.constant 30 : index
    %get3A_496 = memref.load %arg4[%get3A_494, %get3A_495] : memref<1x32xf32, #tpu.memory_space<smem>>
    %broadcast_in_dim3A_497 = vector.broadcast %get3A_496 : f32 to vector<32x1xf32>
    %select_n3A_498 = arith.select %eq3A_493, %broadcast_in_dim3A_497, %select_n3A_482 : vector<32x1xi1>, vector<32x1xf32>
    %eq3A_499 = arith.constant 30 : i32
    %eq3A_500 = vector.broadcast %eq3A_499 : i32 to vector<32x1xi32>
    %eq3A_501 = arith.cmpi eq, %iota3A, %eq3A_500 : vector<32x1xi32>
    %get3A_502 = arith.constant 0 : index
    %get3A_503 = arith.constant 30 : index
    %get3A_504 = memref.load %arg5[%get3A_502, %get3A_503] : memref<1x32xi32, #tpu.memory_space<smem>>
    %broadcast_in_dim3A_505 = vector.broadcast %get3A_504 : i32 to vector<32x1xi32>
    %select_n3A_506 = arith.select %eq3A_501, %broadcast_in_dim3A_505, %select_n3A_490 : vector<32x1xi1>, vector<32x1xi32>
    %eq3A_507 = arith.constant 31 : i32
    %eq3A_508 = vector.broadcast %eq3A_507 : i32 to vector<32x1xi32>
    %eq3A_509 = arith.cmpi eq, %iota3A, %eq3A_508 : vector<32x1xi32>
    %get3A_510 = arith.constant 0 : index
    %get3A_511 = arith.constant 31 : index
    %get3A_512 = memref.load %arg4[%get3A_510, %get3A_511] : memref<1x32xf32, #tpu.memory_space<smem>>
    %broadcast_in_dim3A_513 = vector.broadcast %get3A_512 : f32 to vector<32x1xf32>
    %select_n3A_514 = arith.select %eq3A_509, %broadcast_in_dim3A_513, %select_n3A_498 : vector<32x1xi1>, vector<32x1xf32>
    %eq3A_515 = arith.constant 31 : i32
    %eq3A_516 = vector.broadcast %eq3A_515 : i32 to vector<32x1xi32>
    %eq3A_517 = arith.cmpi eq, %iota3A, %eq3A_516 : vector<32x1xi32>
    %get3A_518 = arith.constant 0 : index
    %get3A_519 = arith.constant 31 : index
    %get3A_520 = memref.load %arg5[%get3A_518, %get3A_519] : memref<1x32xi32, #tpu.memory_space<smem>>
    %broadcast_in_dim3A_521 = vector.broadcast %get3A_520 : i32 to vector<32x1xi32>
    %select_n3A_522 = arith.select %eq3A_517, %broadcast_in_dim3A_521, %select_n3A_506 : vector<32x1xi1>, vector<32x1xi32>
    %iota3A_523 = tpu.iota {dimensions = array<i32: 1>} : vector<32x768xi32>
    %eq3A_524 = vector.broadcast %select_n3A_522 : vector<32x1xi32> to vector<32x768xi32>
    %eq3A_525 = arith.cmpi eq, %iota3A_523, %eq3A_524 : vector<32x768xi32>
    %reshape3A = vector.shape_cast %add3A_9 : vector<1792x768xf32> to vector<56x32x768xf32>
    %broadcast_in_dim3A_526 = vector.shape_cast %eq3A_525 : vector<32x768xi1> to vector<1x32x768xi1>
    %broadcast_in_dim3A_527 = vector.shape_cast %select_n3A_514 : vector<32x1xf32> to vector<1x32x1xf32>
    %broadcast_in_dim3A_528 = vector.shape_cast %broadcast_in_dim3A_526 : vector<1x32x768xi1> to vector<1x32x768xi1>
    %broadcast_in_dim3A_529 = vector.broadcast %broadcast_in_dim3A_528 : vector<1x32x768xi1> to vector<56x32x768xi1>
    %broadcast_in_dim3A_530 = vector.shape_cast %broadcast_in_dim3A_527 : vector<1x32x1xf32> to vector<1x32x1xf32>
    %broadcast_in_dim3A_531 = vector.broadcast %broadcast_in_dim3A_530 : vector<1x32x1xf32> to vector<56x32x768xf32>
    %select_n3A_532 = arith.select %broadcast_in_dim3A_529, %broadcast_in_dim3A_531, %reshape3A : vector<56x32x768xi1>, vector<56x32x768xf32>
    %reshape3A_533 = vector.shape_cast %select_n3A_532 : vector<56x32x768xf32> to vector<1792x768xf32>
    %swap3A = arith.constant 0 : index
    %swap3A_534 = arith.constant 0 : index
    %swap3A_535 = vector.load %arg6[%swap3A, %swap3A_534] : memref<1792x768xf32, #tpu.memory_space<vmem>>, vector<1792x768xf32>
    tpu.vector_store %arg6[%swap3A, %swap3A_534], %reshape3A_533 {strides = array<i32>} : memref<1792x768xf32, #tpu.memory_space<vmem>>, vector<1792x768xf32>,
    return
  }
  func.func @transform_0(%arg0: i32) -> (i32, i32) {
    %c0_i32 = arith.constant 0 : i32
    %c0_i32_0 = arith.constant 0 : i32
    return %arg0, %c0_i32 : i32, i32
  }
  func.func @transform_1(%arg0: i32) -> (i32, i32) {
    %c0_i32 = arith.constant 0 : i32
    %c0_i32_0 = arith.constant 0 : i32
    %c0_i32_1 = arith.constant 0 : i32
    return %c0_i32, %c0_i32_0 : i32, i32
  }
  func.func @transform_2(%arg0: i32) -> (i32, i32) {
    %c0_i32 = arith.constant 0 : i32
    %c0_i32_0 = arith.constant 0 : i32
    %c0_i32_1 = arith.constant 0 : i32
    return %c0_i32, %c0_i32_0 : i32, i32
  }
  func.func @transform_3(%arg0: i32) -> (i32, i32) {
    %c0_i32 = arith.constant 0 : i32
    %c0_i32_0 = arith.constant 0 : i32
    %c0_i32_1 = arith.constant 0 : i32
    return %c0_i32, %c0_i32_0 : i32, i32
  }
  func.func @transform_4(%arg0: i32) -> (i32, i32) {
    %c0_i32 = arith.constant 0 : i32
    %c0_i32_0 = arith.constant 0 : i32
    %c0_i32_1 = arith.constant 0 : i32
    return %c0_i32, %c0_i32_0 : i32, i32
  }
  func.func @transform_5(%arg0: i32) -> (i32, i32) {
    %c0_i32 = arith.constant 0 : i32
    %c0_i32_0 = arith.constant 0 : i32
    return %arg0, %c0_i32 : i32, i32
  }
}

</mosaic_0001>

<sc_bundles>
// kernel: kernel.5.cloned.1.call-start
scs
__scs_entry_jumppad:
0x0: {  	(pc) =	sbr.rel $0x88, $3  }
0x1: {  	(tag) =	ssettag $0x0;
	lr =	simm.s32 $0x1  }
0x2: {  	[smem:$0x3F9D] =	sst lr;
	_ =	strace $0xD0000000  }
0x3: {  	_ = 	snop  }
0x4: {  	_ = 	snop  }
0x5: {  	_ = 	snop  }
0x6: {  	_ = 	snop  }
0x7: {  	_ = 	snop  }
__scs_overlays_trampoline_lowered:
0x8: {  	[smem:$0x3FAC] =	sst s0  }
0x9: {  	[smem:$0x3FAD] =	sst s1  }
0xa: {  	[smem:$0x3FAE] =	sst s2  }
0xb: {  	[smem:$0x3FAF] =	sst s3  }
0xc: {  	[smem:$0x3FB0] =	sst s4  }
0xd: {  	[smem:$0x3FB1] =	sst s5  }
0xe: {  	[smem:$0x3FB2] =	sst s6  }
0xf: {  	[smem:$0x3FB3] =	sst s7  }
0x10: {  	[smem:$0x3FB4] =	sst s8  }
0x11: {  	[smem:$0x3FB5] =	sst s9;
	s0 =	simm.s32 @!p0 $0x0  }
0x12: {  	s1 =	sld [smem:$0x3F9B];
	s0 =	simm.s32 @p0 $0x1  }
0x13: {  	[smem:$0x3FB6] =	sst s0;
	s0 =	simm.s32 @!p1 $0x0  }
0x14: {  	s2 =	sld [smem:$0x3F9A];
	s0 =	simm.s32 @p1 $0x1  }
0x15: {  	[smem:$0x3FB7] =	sst s0;
	s0 =	simm.s32 @!p2 $0x0  }
0x16: {  	s3 =	sld [smem:$0x3FDB];
	s0 =	simm.s32 @p2 $0x1  }
0x17: {  	s4 =	simm.s32 $0x1BF5;
	[smem:$0x3FB9] =	sst s0  }
0x18: {  	s0 =	sld [smem:$0x3F9C];
	_ =	swait.ge [sflag:s4], $0x0  }
0x19: {  	s7 =	sld [smem:$0x3F9D]  }
0x1a: {  	s8 =	sadd.s32 $0xFFFFE003, lr  }
0x1b: {  	s9 =	sadd.s32 $0xFFFFFEF7, lr;
	s5 =	simm.s32 $0xFFFFFFFF;
	p2 =	slt.u32 s8, $0xFFFFF086  }
0x1c: {  	p1 =	slt.u32 s9, $0xF7A;
	s5 =	simm.s32 @!p2 $0x0  }
0x1d: {  	s5 =	simm.s32 @p1 $0x1;
	p0 =	seq.s32 s7, s2  }
0x1e: {  	s7 =	smul.u32 @!p0 $0xF7A, s2;
	p2 =	seq.s32 @!p0 s5, $0x0  }
0x1f: {  	s9 =	smul.u32 $0xF7A, s1;
	s8 =	simm.s32 @!p0 $0x1BF5;
	p2 =	por !p2, p0  }
0x20: {  	[sflag:s8] =	ssyncset.s32 @!p0 $0xFFFFF086;
	s6 =	sadd.s32 @!p0 s3, s7;
	s7 =	simm.s32 @!p0 $0x108  }
0x21: {  	s3 =	sadd.s32 s3, s9;
	s6 =	sadd.s32 @!p0 $0x88, s6;
	s7 =	simm.s32 @p2 $0x1082  }
0x22: {  	[simem:s7], [sflag:s8] =	dma.local @!p0 [hbm:s6], $0xF7A  }
0x23: {  	s9 =	sor.u32 $0xD0000000, s2;
	s6 =	simm.s32 $0x108;
	_ =	swait.ge @!p0 [sflag:s8], $0x0  }
0x24: {  	s3 =	sadd.s32 $0x88, s3;
	s6 =	simm.s32 @!p1 $0x1082;
	[sflag:s4] =	ssyncset.s32 $0xFFFFF086  }
0x25: {  	[simem:s6], [sflag:s4] =	dma.local [hbm:s3], $0xF7A  }
0x26: {  	[smem:$0x3F9D] =	sst s1;
	(tag) =	ssettag s2;
	_ =	strace s9  }
0x27: {  	s1 =	sld [smem:$0x3FAD]  }
0x28: {  	s2 =	sld [smem:$0x3FAE]  }
0x29: {  	s4 =	sld [smem:$0x3FB0]  }
0x2a: {  	p0 =	seq.s32 s5, $0x0;
	s5 =	sld [smem:$0x3FB1]  }
0x2b: {  	s6 =	sld [smem:$0x3FB2]  }
0x2c: {  	s7 =	sld [smem:$0x3FB3]  }
0x2d: {  	s3 =	simm.s32 $0x108;
	s8 =	sld [smem:$0x3FB4]  }
0x2e: {  	s3 =	simm.s32 @!p0 $0x1082;
	s9 =	sld [smem:$0x3FB5]  }
0x2f: {  	lr =	sadd.s32 s0, s3;
	s0 =	sld [smem:$0x3FAC]  }
0x30: {  	s3 =	sld [smem:$0x3FAF]  }
0x31: {  	[smem:$0x3FB8] =	sst s10  }
0x32: {  	s10 =	sld [smem:$0x3FB6];
	_ =	sdelay $0x3  }
0x33: {  	p0 =	seq.s32 s10, $0x1;
	s10 =	sld [smem:$0x3FB8];
	_ =	sdelay $0x3  }
0x34: {  	[smem:$0x3FB8] =	sst s10  }
0x35: {  	s10 =	sld [smem:$0x3FB7];
	_ =	sdelay $0x3  }
0x36: {  	p1 =	seq.s32 s10, $0x1;
	s10 =	sld [smem:$0x3FB8];
	_ =	sdelay $0x3  }
0x37: {  	[smem:$0x3FB8] =	sst s10  }
0x38: {  	s10 =	sld [smem:$0x3FB9]  }
0x39: {  	_ = 	snop;
	(pc) =	sbr.ind lr, $3  }
0x3a: {  	_ = 	snop  }
0x3b: {  	_ = 	snop  }
0x3c: {  	p2 =	seq.s32 s10, $0x1;
	s10 =	sld [smem:$0x3FB8]  }
0x3d: {  	_ =	shalt  }
0x3e: {  	_ =	shalt  }
0x3f: {  	_ =	shalt  }
0x40: {  	_ =	shalt  }
0x41: {  	_ =	shalt  }
0x42: {  	_ =	shalt  }
0x43: {  	_ =	shalt  }
0x44: {  	_ =	shalt  }
0x45: {  	_ =	shalt  }
0x46: {  	_ =	shalt  }
0x47: {  	_ =	shalt  }
0x48: {  	_ =	shalt  }
0x49: {  	_ =	shalt  }
0x4a: {  	_ =	shalt  }
0x4b: {  	_ =	shalt  }
0x4c: {  	_ =	shalt  }
0x4d: {  	_ =	shalt  }
0x4e: {  	_ =	shalt  }
0x4f: {  	_ =	shalt  }
0x50: {  	_ =	shalt  }
0x51: {  	_ =	shalt  }
0x52: {  	_ =	shalt  }
0x53: {  	_ =	shalt  }
0x54: {  	_ =	shalt  }
0x55: {  	_ =	shalt  }
0x56: {  	_ =	shalt  }
0x57: {  	_ =	shalt  }
0x58: {  	_ =	shalt  }
0x59: {  	_ =	shalt  }
0x5a: {  	_ =	shalt  }
0x5b: {  	_ =	shalt  }
0x5c: {  	_ =	shalt  }
0x5d: {  	_ =	shalt  }
0x5e: {  	_ =	shalt  }
0x5f: {  	_ =	shalt  }
0x60: {  	_ =	shalt  }
0x61: {  	_ =	shalt  }
0x62: {  	_ =	shalt  }
0x63: {  	_ =	shalt  }
0x64: {  	_ =	shalt  }
0x65: {  	_ =	shalt  }
0x66: {  	_ =	shalt  }
0x67: {  	_ =	shalt  }
0x68: {  	_ =	shalt  }
0x69: {  	_ =	shalt  }
0x6a: {  	_ =	shalt  }
0x6b: {  	_ =	shalt  }
0x6c: {  	_ =	shalt  }
0x6d: {  	_ =	shalt  }
0x6e: {  	_ =	shalt  }
0x6f: {  	_ =	shalt  }
0x70: {  	_ =	shalt  }
0x71: {  	_ =	shalt  }
0x72: {  	_ =	shalt  }
0x73: {  	_ =	shalt  }
0x74: {  	_ =	shalt  }
0x75: {  	_ =	shalt  }
0x76: {  	_ =	shalt  }
0x77: {  	_ =	shalt  }
0x78: {  	_ =	shalt  }
0x79: {  	_ =	shalt  }
0x7a: {  	_ =	shalt  }
0x7b: {  	_ =	shalt  }
0x7c: {  	_ =	shalt  }
0x7d: {  	_ =	shalt  }
0x7e: {  	_ =	shalt  }
0x7f: {  	_ =	shalt  }
0x80: {  	_ =	shalt  }
0x81: {  	_ =	shalt  }
0x82: {  	_ =	shalt  }
0x83: {  	_ =	shalt  }
0x84: {  	_ =	shalt  }
0x85: {  	_ =	shalt  }
0x86: {  	_ =	shalt  }
0x87: {  	_ =	shalt  }
.Lfunc_end0:
.L_simem_size_0:
called_computation_lowered:
.L_overlay_start_0:
0x88: {  	s2 =	sld [smem:$0x3FD9]  }
0x89: {  	s3 =	sld [smem:$0x3FFE];
	_ =	sdelay $0x1  }
0x8a: {  	s1 =	srdreg.scid  }
0x8b: {  	s0 =	sand.u32 $0x1, s1  }
0x8c: {  	s17 =	sshll.u32 s0, $0xA;
	s2 =	sadd.s32 s3, s2  }
0x8d: {  	s2 =	sadd.s32 s2, s17  }
0x8e: {  	[smem:$0x3FC4] =	sst s2  }
0x8f: {  	_ = 	snop  }
0x90: {  	s2 =	sld [smem:$0x3FD0];
	(tm) =	ssettm $0x1  }
0x91: {  	s18 =	sld [smem:$0x3FFB];
	_ =	sdelay $0x3  }
0x92: {  	_ =	strace s18  }
0x93: {  	s3 =	sld [smem:$0x3FFC];
	_ =	sdelay $0x3  }
0x94: {  	_ =	strace s3  }
0x95: {  	s3 =	sld [smem:$0x3FFD];
	_ =	sdelay $0x3  }
0x96: {  	_ =	strace s3  }
0x97: {  	_ =	strace $0x8FFFFFFF  }
0x98: {  	s19 =	sld [smem:$0x3FDB];
	_ =	sdelay $0x1  }
0x99: {  	s4 =	simm.s32 $_scs_section_size  }
0x9a: {  	s5 =	simm.s32 $_size__tile_overlayer_lowered;
	s6 =	simm.s32 $_tile_overlayer_lowered  }
0x9b: {  	s22 =	simm.s32 $0x1BFF;
	s21 =	sshll.u32 s6, $0x1;
	s3 =	sadd.s32 s4, s19  }
0x9c: {  	s7 =	simm.s32 $0x0;
	s20 =	sshll.u32 s5, $0x1;
	s5 =	sadd.s32 s21, s3  }
0x9d: {  	[timem:s7], [sflag:s22] =	dma.local [hbm:s5], s20  }
0x9e: {  	_ =	swait.ge [sflag:s22], s20  }
0x9f: {  	s4 =	ssub.s32 $0x0, s20;
	[sflag:s22] =	ssyncset.done $0x0  }
0xa0: {  	[sflag:s22] =	ssyncadd.s32 s4;
	_ =	sdelay $0x1  }
0xa1: {  	s23 =	simm.s32 $0x1B8B  }
0xa2: {  	_ =	swait.ge [sflag:s23], $0x1  }
0xa3: {  	[sflag:s23] =	ssyncset.done $0x0  }
0xa4: {  	s25 =	simm.s32 $0x1B8E;
	s24 =	sld [smem:$0x3FFE];
	[sflag:s23] =	ssyncadd.s32 $0xFFFFFFFF  }
0xa5: {  	s26 =	simm.s32 $execute0_lowered;
	[smem:$0x3FD2] =	sst s25  }
0xa6: {  	s5 =	sshll.u32 s26, $0x1;
	_ =	strace $0x80000046;
	[dreg:$0x1] =	wrdreg $0xFFFFFFFF  }
0xa7: {  	s28 =	simm.s32 $_size_execute0_lowered;
	s3 =	sadd.s32 s3, s5;
	[dreg:$0x0] =	wrdreg $0x0  }
0xa8: {  	s5 =	sshll.u32 s28, $0x1;
	[dreg:$0x2] =	wrdreg s3  }
0xa9: {  	[dreg:$0x3] =	wrdreg s5  }
0xaa: {  	[dreg:$0x4] =	wrdreg $0xC0  }
0xab: {  	_ =	task [dreg:s7], $0x5FFFF  }
0xac: {  	[dreg:$0x1] =	wrdreg $0xFFFFFFFF  }
0xad: {  	[dreg:$0x0] =	wrdreg $0x60  }
0xae: {  	[dreg:$0x2] =	wrdreg s2  }
0xaf: {  	[dreg:$0x3] =	wrdreg s24  }
0xb0: {  	[dreg:$0x4] =	wrdreg $0x9  }
0xb1: {  	_ =	task.clear_ibuf [dreg:s7], $0x5FFFF;
	_ =	strace $0x90000046  }
0xb2: {  	s29 =	simm.s32 $0x9;
	_ =	strace $0x80000048  }
0xb3: {  	_ =	swait.ge [sflag:s29], $0x1  }
0xb4: {  	[sflag:s29] =	ssyncadd.s32 $0xFFFFFFFF  }
0xb5: {  	_ =	strace $0x90000048  }
0xb6: {  	_ =	sfence  }
0xb7: {  	s30 =	sld [smem:$0x0];
	_ =	sdelay $0x2  }
0xb8: {  	s31 =	sshll.u32 s1, $0xD;
	s1 =	sshrl.u32 s1, $0x2  }
0xb9: {  	s3 =	sand.u32 $0x4000, s31;
	s1 =	sadd.s32 s1, s30  }
0xba: {  	s0 =	sor.u32 s3, s0;
	s1 =	sshll.u32 s1, $0x11  }
0xbb: {  	s0 =	sor.u32 s1, s0  }
0xbc: {  	s0 =	sadd.s32 $0x8F2B, s0  }
0xbd: {  	[sflag:s0] =	ssyncadd.remote.s32 $0x1  }
0xbe: {  	_ =	sfence.sel $0xFFFF  }
0xbf: {  	[dreg:$0x0] =	wrdreg $0xFFFFFFFF;
	(pc) =	sbr.abs _section_cstart, $3  }
0xc0: {  	[dreg:$0x1] =	wrdreg $0xFFFFFFFF  }
0xc1: {  	_ =	task.clear_ibuf [dreg:s7], $0x2FFFF;
	_ =	strace $0x9FFFFFFF  }
0xc2: {  	(tm) =	ssettm $0x7FFFFFFF  }
0xc3: {  	_ =	shalt  }
tec
execute0_lowered:
.L_overlay_start_1:
0x0: {  	(tag) =	ssettag $0x1  }
0x1: {  	s0 =	rddreg [dreg:$0x0];
	s1 =	srdreg.scid  }
0x2: {  	[dreg:$0x3] =	wrdreg s0;
	s2 =	sand.u32 $0x1, s1;
	s0 =	stileid.u32  }
0x3: {  	s4 =	sor.u32 s0, s2  }
0x4: {  	p0 =	sne.s32 s4, $0x0  }
.Ltmp0:
0x5: {  	_ = 	snop;
	(pc) =	sbr.rel @p0 .LBB2_5-.Ltmp0, $3  }
0x6: {  	_ =	sdelay $0x1  }
0x7: {  	s3 =	rddreg [dreg:$0x1]  }
0x8: {  	s1 =	rddreg [dreg:$0x2];
	_ =	strace $0x80000047  }
0x9: {  	s2 =	ssub.s32 $0x2, s2  }
0xa: {  	s31 =	sshrl.u32 s2, $0x1  }
0xb: {  	s4 =	ssub.s32 s2, s31  }
0xc: {  	vm15 =	vmmov $0x3fff;
	p1 =	sne.s32 s4, $0x1  }
.Ltmp1:
0xd: {  	vm14 =	vcmask $0x300;
	vm12 =	vcmask $0x704;
	vm9 =	vcmask $0xB08;
	(pc) =	sbr.rel @!p1 .LBB2_4-.Ltmp1, $4  }
0xe: {  	s3 =	sadd.s32 $0x400, s3;
	vm13 =	vcmask $0xF0C;
	vm10 =	vcmask $0x1310;
	vm6 =	vcmask $0x1714  }
0xf: {  	vm11 =	vcmask $0x1B18;
	vm7 =	vcmask $0x1F1C;
	vm3 =	vcmask $0x2320;
	s5 =	simm.s32 $0x10;
	[dreg:$0x4] =	wrdreg s3  }
0x10: {  	vm8 =	vcmask $0x2724;
	vm4 =	vcmask $0x2B28;
	vm2 =	vcmask $0x2F2C;
	p0 =	por $0x0, $0x0;
	s3 =	simm.s32 $0x1;
	[dreg:$0x5] =	wrdreg s5  }
0x11: {  	vm5 =	vcmask $0x3330;
	vm1 =	vcmask $0x3734;
	vm0 =	vcmask $0x3B38;
	s5 =	rddreg [dreg:$0x3];
	s2 =	simm.s32 $0x0;
	s0 =	sadd.s32 $0xFFFFFFFF, s4  }
0x12: {  	[tilespmem:s2], [sflag:$0x1] =	stream.linear.gather [hbm4b:s5+s2], $0x10, $0x38;
	[tilespmem:$0x30] =	vst v63  }
0x13: {  	_ =	swait.ge [sflag:s3], $0x10  }
0x14: {  	[sflag:s3] =	ssyncset.done $0x0  }
0x15: {  	[sflag:s3] =	ssyncadd.s32 $0xFFFFFFF0  }
0x16: {  	v0 =	vld [tilespmem:$0x0];
	_ =	sdelay $0x4  }
0x17: {  	v0 =	vnsel vm15, $0x7F61B1E6, v0  }
0x18: {  	(xrf0) =	vmin.scan.msk.f32 $0xffff, v0;
	_ =	sdelay $0x5  }
0x19: {  	v0, _, _ =	vpop (xrf0)  }
0x1a: {  	(v2sf) =	vpush v0, $0xF;
	_ =	sdelay $0xe  }
0x1b: {  	s19 =	spop (v2sf)  }
0x1c: {  	p0 =	seq.f32 s19, $0.0e+00;
	s1 =	sadd.f32 $-1.000000000e+07, s19  }
0x1d: {  	_ = 	snop  }
0x1e: {  	s1 =	simm.s32 @p0 $0x0  }
0x1f: {  	[dreg:$0x6] =	wrdreg s1  }
0x20: {  	p0 =	seq.f32 s1, $0.0e+00;
	s1 =	sadd.f32 $-1.000000000e+07, s1  }
0x21: {  	_ = 	snop  }
0x22: {  	s1 =	simm.s32 @p0 $0x0  }
0x23: {  	[dreg:$0x8] =	wrdreg s1  }
0x24: {  	p0 =	seq.f32 s1, $0.0e+00;
	s1 =	sadd.f32 $-1.000000000e+07, s1  }
0x25: {  	_ = 	snop  }
0x26: {  	s1 =	simm.s32 @p0 $0x0  }
0x27: {  	p0 =	seq.f32 s1, $0.0e+00;
	s8 =	sadd.f32 $-1.000000000e+07, s1  }
0x28: {  	_ = 	snop  }
0x29: {  	s8 =	simm.s32 @p0 $0x0  }
0x2a: {  	p0 =	seq.f32 s8, $0.0e+00;
	s9 =	sadd.f32 $-1.000000000e+07, s8  }
0x2b: {  	_ = 	snop  }
0x2c: {  	s9 =	simm.s32 @p0 $0x0  }
0x2d: {  	p0 =	seq.f32 s9, $0.0e+00;
	s10 =	sadd.f32 $-1.000000000e+07, s9  }
0x2e: {  	_ = 	snop  }
0x2f: {  	s10 =	simm.s32 @p0 $0x0  }
0x30: {  	p0 =	seq.f32 s10, $0.0e+00;
	s11 =	sadd.f32 $-1.000000000e+07, s10  }
0x31: {  	_ = 	snop  }
0x32: {  	s11 =	simm.s32 @p0 $0x0  }
0x33: {  	p0 =	seq.f32 s11, $0.0e+00;
	s12 =	sadd.f32 $-1.000000000e+07, s11  }
0x34: {  	_ = 	snop  }
0x35: {  	s12 =	simm.s32 @p0 $0x0  }
0x36: {  	p0 =	seq.f32 s12, $0.0e+00;
	s13 =	sadd.f32 $-1.000000000e+07, s12  }
0x37: {  	_ = 	snop  }
0x38: {  	s13 =	simm.s32 @p0 $0x0  }
0x39: {  	p0 =	seq.f32 s13, $0.0e+00;
	s14 =	sadd.f32 $-1.000000000e+07, s13  }
0x3a: {  	_ = 	snop  }
0x3b: {  	s14 =	simm.s32 @p0 $0x0  }
0x3c: {  	p0 =	seq.f32 s14, $0.0e+00;
	s15 =	sadd.f32 $-1.000000000e+07, s14  }
0x3d: {  	_ = 	snop  }
0x3e: {  	s15 =	simm.s32 @p0 $0x0  }
0x3f: {  	p0 =	seq.f32 s15, $0.0e+00;
	s16 =	sadd.f32 $-1.000000000e+07, s15  }
0x40: {  	_ = 	snop  }
0x41: {  	s16 =	simm.s32 @p0 $0x0  }
0x42: {  	p0 =	seq.f32 s16, $0.0e+00;
	s17 =	sadd.f32 $-1.000000000e+07, s16  }
0x43: {  	_ = 	snop  }
0x44: {  	s17 =	simm.s32 @p0 $0x0  }
0x45: {  	p0 =	seq.f32 s17, $0.0e+00;
	s18 =	sadd.f32 $-1.000000000e+07, s17  }
0x46: {  	_ = 	snop  }
0x47: {  	s18 =	simm.s32 @p0 $0x0  }
0x48: {  	p0 =	seq.f32 s18, $0.0e+00;
	s19 =	sadd.f32 $-1.000000000e+07, s18  }
0x49: {  	_ = 	snop  }
0x4a: {  	s19 =	simm.s32 @p0 $0x0  }
0x4b: {  	p0 =	seq.f32 s19, $0.0e+00;
	s20 =	sadd.f32 $-1.000000000e+07, s19  }
0x4c: {  	_ = 	snop  }
0x4d: {  	s20 =	simm.s32 @p0 $0x0  }
0x4e: {  	p0 =	seq.f32 s20, $0.0e+00;
	s21 =	sadd.f32 $-1.000000000e+07, s20  }
0x4f: {  	_ = 	snop  }
0x50: {  	s21 =	simm.s32 @p0 $0x0  }
0x51: {  	p0 =	seq.f32 s21, $0.0e+00;
	s22 =	sadd.f32 $-1.000000000e+07, s21  }
0x52: {  	_ = 	snop  }
0x53: {  	s22 =	simm.s32 @p0 $0x0  }
0x54: {  	p0 =	seq.f32 s22, $0.0e+00;
	s23 =	sadd.f32 $-1.000000000e+07, s22  }
0x55: {  	_ = 	snop  }
0x56: {  	s23 =	simm.s32 @p0 $0x0  }
0x57: {  	p0 =	seq.f32 s23, $0.0e+00;
	s24 =	sadd.f32 $-1.000000000e+07, s23  }
0x58: {  	_ = 	snop  }
0x59: {  	s24 =	simm.s32 @p0 $0x0  }
0x5a: {  	p0 =	seq.f32 s24, $0.0e+00;
	s25 =	sadd.f32 $-1.000000000e+07, s24  }
0x5b: {  	_ = 	snop  }
0x5c: {  	s25 =	simm.s32 @p0 $0x0  }
0x5d: {  	p0 =	seq.f32 s25, $0.0e+00;
	s26 =	sadd.f32 $-1.000000000e+07, s25  }
0x5e: {  	_ = 	snop  }
0x5f: {  	s26 =	simm.s32 @p0 $0x0  }
0x60: {  	p0 =	seq.f32 s26, $0.0e+00;
	s28 =	sadd.f32 $-1.000000000e+07, s26  }
0x61: {  	_ = 	snop  }
0x62: {  	s28 =	simm.s32 @p0 $0x0  }
0x63: {  	p0 =	seq.f32 s28, $0.0e+00;
	s29 =	sadd.f32 $-1.000000000e+07, s28  }
0x64: {  	_ = 	snop  }
0x65: {  	s29 =	simm.s32 @p0 $0x0  }
0x66: {  	p0 =	seq.f32 s29, $0.0e+00;
	s30 =	sadd.f32 $-1.000000000e+07, s29  }
0x67: {  	_ = 	snop  }
0x68: {  	s30 =	simm.s32 @p0 $0x0  }
0x69: {  	p0 =	seq.f32 s30, $0.0e+00;
	s31 =	sadd.f32 $-1.000000000e+07, s30  }
0x6a: {  	_ = 	snop  }
0x6b: {  	s31 =	simm.s32 @p0 $0x0  }
0x6c: {  	p0 =	seq.f32 s31, $0.0e+00;
	s7 =	sadd.f32 $-1.000000000e+07, s31  }
0x6d: {  	_ = 	snop  }
0x6e: {  	s7 =	simm.s32 @p0 $0x0  }
0x6f: {  	p0 =	seq.f32 s7, $0.0e+00;
	s6 =	sadd.f32 $-1.000000000e+07, s7  }
0x70: {  	_ = 	snop  }
0x71: {  	s6 =	simm.s32 @p0 $0x0  }
0x72: {  	p0 =	seq.f32 s6, $0.0e+00;
	s4 =	sadd.f32 $-1.000000000e+07, s6  }
0x73: {  	_ = 	snop  }
0x74: {  	s4 =	simm.s32 @p0 $0x0  }
0x75: {  	p0 =	seq.f32 s4, $0.0e+00;
	s5 =	sadd.f32 $-1.000000000e+07, s4  }
0x76: {  	_ = 	snop  }
0x77: {  	[dreg:$0xa] =	wrdreg s1;
	s5 =	simm.s32 @p0 $0x0  }
0x78: {  	p0 =	seq.f32 s5, $0.0e+00;
	s1 =	sadd.f32 $-1.000000000e+07, s5  }
0x79: {  	_ = 	snop  }
0x7a: {  	[dreg:$0xc] =	wrdreg s0;
	s1 =	simm.s32 @p0 $0x0  }
0x7b: {  	p0 =	seq.f32 s1, $0.0e+00;
	s0 =	sadd.f32 $-1.000000000e+07, s1  }
0x7c: {  	_ = 	snop  }
0x7d: {  	v62 =	vmov s20;
	s20 =	rddreg [dreg:$0x6];
	s0 =	simm.s32 @p0 $0x0  }
0x7e: {  	v0 =	vsel vm14, s20, v62;
	s20 =	rddreg [dreg:$0x8];
	v1 =	vmov s0  }
0x7f: {  	v0 =	vsel vm12, s20, v0;
	v1 =	vsel vm14, s21, v1;
	s21 =	rddreg [dreg:$0xa]  }
0x80: {  	v0 =	vsel vm9, s21, v0;
	v1 =	vsel vm12, s22, v1  }
0x81: {  	v0 =	vsel vm13, s8, v0;
	v1 =	vsel vm9, s23, v1  }
0x82: {  	v0 =	vsel vm10, s9, v0;
	v1 =	vsel vm13, s24, v1  }
0x83: {  	v0 =	vsel vm6, s10, v0;
	v1 =	vsel vm10, s25, v1  }
0x84: {  	v0 =	vsel vm11, s11, v0;
	v1 =	vsel vm6, s26, v1  }
0x85: {  	v0 =	vsel vm7, s12, v0;
	v1 =	vsel vm11, s28, v1  }
0x86: {  	v0 =	vsel vm3, s13, v0;
	v1 =	vsel vm7, s29, v1  }
0x87: {  	v0 =	vsel vm8, s14, v0;
	v1 =	vsel vm3, s30, v1  }
0x88: {  	v0 =	vsel vm4, s15, v0;
	v1 =	vsel vm8, s31, v1  }
0x89: {  	v0 =	vsel vm2, s16, v0;
	v1 =	vsel vm4, s7, v1  }
0x8a: {  	v0 =	vsel vm5, s17, v0;
	v1 =	vsel vm2, s6, v1  }
0x8b: {  	s31 =	rddreg [dreg:$0xc];
	v0 =	vsel vm1, s18, v0;
	v1 =	vsel vm5, s4, v1  }
0x8c: {  	p1 =	sne.s32 s31, $0x1;
	v0 =	vsel vm0, s19, v0;
	v1 =	vsel vm1, s5, v1  }
.Ltmp2:
0x8d: {  	s29 =	rddreg [dreg:$0x5];
	[tilespmem:$0x10] =	vst v0;
	v63 =	vsel vm0, s1, v1;
	(pc) =	sbr.rel @!p1 .LBB2_4-.Ltmp2, $4  }
0x8e: {  	s30 =	rddreg [dreg:$0x4];
	[tilespmem:$0x20] =	vst v63  }
0x8f: {  	[hbm4b:s30+s2] =	stream.linear.scatter [tilespmem:s29], [sflag:$0x1], $0x20, $0x38;
	[tilespmem:$0x30] =	vst v63  }
0x90: {  	p0 =	por $0x1, $0x1;
	_ =	swait.ge [sflag:s3], $0x20  }
0x91: {  	s4 =	sadd.s32 $0xFFFFFFFF, s31;
	s5 =	rddreg [dreg:$0x3];
	[sflag:s3] =	ssyncset.done $0x0  }
.LBB2_3:
0x92: {  	[sflag:s3] =	ssyncadd.s32 $0xFFFFFFE0  }
0x93: {  	[tilespmem:s2], [sflag:$0x1] =	stream.linear.gather [hbm4b:s5+s2], $0x10, $0x38;
	[tilespmem:$0x30] =	vst v63  }
0x94: {  	_ =	swait.ge [sflag:s3], $0x10  }
0x95: {  	[sflag:s3] =	ssyncset.done $0x0  }
0x96: {  	[sflag:s3] =	ssyncadd.s32 $0xFFFFFFF0  }
0x97: {  	v0 =	vld [tilespmem:$0x0];
	_ =	sdelay $0x4  }
0x98: {  	v0 =	vnsel vm15, $0x7F61B1E6, v0  }
0x99: {  	(xrf0) =	vmin.scan.msk.f32 $0xffff, v0;
	_ =	sdelay $0x5  }
0x9a: {  	v0, _, _ =	vpop (xrf0)  }
0x9b: {  	(v2sf) =	vpush v0, $0xF;
	_ =	sdelay $0xe  }
0x9c: {  	s0 =	spop (v2sf)  }
0x9d: {  	p2 =	seq.f32 s0, $0.0e+00;
	s6 =	sadd.f32 $-1.000000000e+07, s0  }
0x9e: {  	_ = 	snop  }
0x9f: {  	s6 =	simm.s32 @p2 $0x0  }
0xa0: {  	p2 =	seq.f32 s6, $0.0e+00;
	s7 =	sadd.f32 $-1.000000000e+07, s6  }
0xa1: {  	_ = 	snop  }
0xa2: {  	s7 =	simm.s32 @p2 $0x0  }
0xa3: {  	p2 =	seq.f32 s7, $0.0e+00;
	s8 =	sadd.f32 $-1.000000000e+07, s7  }
0xa4: {  	_ = 	snop  }
0xa5: {  	s8 =	simm.s32 @p2 $0x0  }
0xa6: {  	p2 =	seq.f32 s8, $0.0e+00;
	s9 =	sadd.f32 $-1.000000000e+07, s8  }
0xa7: {  	_ = 	snop  }
0xa8: {  	s9 =	simm.s32 @p2 $0x0  }
0xa9: {  	p2 =	seq.f32 s9, $0.0e+00;
	s10 =	sadd.f32 $-1.000000000e+07, s9  }
0xaa: {  	_ = 	snop  }
0xab: {  	s10 =	simm.s32 @p2 $0x0  }
0xac: {  	p2 =	seq.f32 s10, $0.0e+00;
	s11 =	sadd.f32 $-1.000000000e+07, s10  }
0xad: {  	_ = 	snop  }
0xae: {  	s11 =	simm.s32 @p2 $0x0  }
0xaf: {  	p2 =	seq.f32 s11, $0.0e+00;
	s12 =	sadd.f32 $-1.000000000e+07, s11  }
0xb0: {  	_ = 	snop  }
0xb1: {  	s12 =	simm.s32 @p2 $0x0  }
0xb2: {  	p2 =	seq.f32 s12, $0.0e+00;
	s13 =	sadd.f32 $-1.000000000e+07, s12  }
0xb3: {  	_ = 	snop  }
0xb4: {  	s13 =	simm.s32 @p2 $0x0  }
0xb5: {  	p2 =	seq.f32 s13, $0.0e+00;
	s14 =	sadd.f32 $-1.000000000e+07, s13  }
0xb6: {  	_ = 	snop  }
0xb7: {  	s14 =	simm.s32 @p2 $0x0  }
0xb8: {  	p2 =	seq.f32 s14, $0.0e+00;
	s15 =	sadd.f32 $-1.000000000e+07, s14  }
0xb9: {  	_ = 	snop  }
0xba: {  	s15 =	simm.s32 @p2 $0x0  }
0xbb: {  	p2 =	seq.f32 s15, $0.0e+00;
	s16 =	sadd.f32 $-1.000000000e+07, s15  }
0xbc: {  	_ = 	snop  }
0xbd: {  	s16 =	simm.s32 @p2 $0x0  }
0xbe: {  	p2 =	seq.f32 s16, $0.0e+00;
	s17 =	sadd.f32 $-1.000000000e+07, s16  }
0xbf: {  	_ = 	snop  }
0xc0: {  	s17 =	simm.s32 @p2 $0x0  }
0xc1: {  	p2 =	seq.f32 s17, $0.0e+00;
	s18 =	sadd.f32 $-1.000000000e+07, s17  }
0xc2: {  	_ = 	snop  }
0xc3: {  	s18 =	simm.s32 @p2 $0x0  }
0xc4: {  	p2 =	seq.f32 s18, $0.0e+00;
	s0 =	sadd.f32 $-1.000000000e+07, s18  }
0xc5: {  	_ = 	snop  }
0xc6: {  	s0 =	simm.s32 @p2 $0x0  }
0xc7: {  	p2 =	seq.f32 s0, $0.0e+00;
	s1 =	sadd.f32 $-1.000000000e+07, s0  }
0xc8: {  	_ = 	snop  }
0xc9: {  	s1 =	simm.s32 @p2 $0x0  }
0xca: {  	p2 =	seq.f32 s1, $0.0e+00;
	s5 =	sadd.f32 $-1.000000000e+07, s1  }
0xcb: {  	_ = 	snop  }
0xcc: {  	s5 =	simm.s32 @p2 $0x0  }
0xcd: {  	v62 =	vmov s5;
	p2 =	seq.f32 s5, $0.0e+00;
	s5 =	sadd.f32 $-1.000000000e+07, s5  }
0xce: {  	_ = 	snop  }
0xcf: {  	s5 =	simm.s32 @p2 $0x0  }
0xd0: {  	v0 =	vsel vm14, s6, v62;
	p2 =	seq.f32 s5, $0.0e+00;
	s6 =	sadd.f32 $-1.000000000e+07, s5  }
0xd1: {  	_ = 	snop  }
0xd2: {  	s6 =	simm.s32 @p2 $0x0  }
0xd3: {  	v0 =	vsel vm12, s7, v0;
	p2 =	seq.f32 s6, $0.0e+00;
	s7 =	sadd.f32 $-1.000000000e+07, s6  }
0xd4: {  	_ = 	snop  }
0xd5: {  	s7 =	simm.s32 @p2 $0x0  }
0xd6: {  	v0 =	vsel vm9, s8, v0;
	p2 =	seq.f32 s7, $0.0e+00;
	s8 =	sadd.f32 $-1.000000000e+07, s7  }
0xd7: {  	_ = 	snop  }
0xd8: {  	s8 =	simm.s32 @p2 $0x0  }
0xd9: {  	v0 =	vsel vm13, s9, v0;
	p2 =	seq.f32 s8, $0.0e+00;
	s9 =	sadd.f32 $-1.000000000e+07, s8  }
0xda: {  	_ = 	snop  }
0xdb: {  	s9 =	simm.s32 @p2 $0x0  }
0xdc: {  	v0 =	vsel vm10, s10, v0;
	p2 =	seq.f32 s9, $0.0e+00;
	s10 =	sadd.f32 $-1.000000000e+07, s9  }
0xdd: {  	_ = 	snop  }
0xde: {  	s10 =	simm.s32 @p2 $0x0  }
0xdf: {  	v0 =	vsel vm6, s11, v0;
	p2 =	seq.f32 s10, $0.0e+00;
	s11 =	sadd.f32 $-1.000000000e+07, s10  }
0xe0: {  	_ = 	snop  }
0xe1: {  	v0 =	vsel vm11, s12, v0;
	s11 =	simm.s32 @p2 $0x0  }
0xe2: {  	v0 =	vsel vm7, s13, v0;
	p2 =	seq.f32 s11, $0.0e+00;
	s12 =	sadd.f32 $-1.000000000e+07, s11  }
0xe3: {  	v0 =	vsel vm3, s14, v0  }
0xe4: {  	v0 =	vsel vm8, s15, v0;
	s12 =	simm.s32 @p2 $0x0  }
0xe5: {  	v0 =	vsel vm4, s16, v0;
	p2 =	seq.f32 s12, $0.0e+00;
	s13 =	sadd.f32 $-1.000000000e+07, s12  }
0xe6: {  	v0 =	vsel vm2, s17, v0  }
0xe7: {  	v0 =	vsel vm5, s18, v0;
	s13 =	simm.s32 @p2 $0x0  }
0xe8: {  	v0 =	vsel vm1, s0, v0;
	p2 =	seq.f32 s13, $0.0e+00;
	s0 =	sadd.f32 $-1.000000000e+07, s13  }
0xe9: {  	_ = 	snop  }
0xea: {  	s0 =	simm.s32 @p2 $0x0  }
0xeb: {  	v0 =	vsel vm0, s1, v0;
	p2 =	seq.f32 s0, $0.0e+00;
	s1 =	sadd.f32 $-1.000000000e+07, s0  }
0xec: {  	_ = 	snop  }
0xed: {  	s1 =	simm.s32 @p2 $0x0  }
0xee: {  	p2 =	seq.f32 s1, $0.0e+00;
	s14 =	sadd.f32 $-1.000000000e+07, s1  }
0xef: {  	_ = 	snop  }
0xf0: {  	s14 =	simm.s32 @p2 $0x0  }
0xf1: {  	p2 =	seq.f32 s14, $0.0e+00;
	s15 =	sadd.f32 $-1.000000000e+07, s14  }
0xf2: {  	_ = 	snop  }
0xf3: {  	s15 =	simm.s32 @p2 $0x0  }
0xf4: {  	p2 =	seq.f32 s15, $0.0e+00;
	s16 =	sadd.f32 $-1.000000000e+07, s15  }
0xf5: {  	_ = 	snop  }
0xf6: {  	s16 =	simm.s32 @p2 $0x0  }
0xf7: {  	p2 =	seq.f32 s16, $0.0e+00;
	s17 =	sadd.f32 $-1.000000000e+07, s16  }
0xf8: {  	_ = 	snop  }
0xf9: {  	s17 =	simm.s32 @p2 $0x0  }
0xfa: {  	p2 =	seq.f32 s17, $0.0e+00;
	s18 =	sadd.f32 $-1.000000000e+07, s17  }
0xfb: {  	_ = 	snop  }
0xfc: {  	s18 =	simm.s32 @p2 $0x0  }
0xfd: {  	v63 =	vmov s18  }
0xfe: {  	[tilespmem:$0x10] =	vst v0;
	v0 =	vsel vm14, s5, v63  }
0xff: {  	v0 =	vsel vm12, s6, v0  }
0x100: {  	v0 =	vsel vm9, s7, v0  }
0x101: {  	v0 =	vsel vm13, s8, v0  }
0x102: {  	v0 =	vsel vm10, s9, v0  }
0x103: {  	v0 =	vsel vm6, s10, v0  }
0x104: {  	v0 =	vsel vm11, s11, v0  }
0x105: {  	v0 =	vsel vm7, s12, v0  }
0x106: {  	v0 =	vsel vm3, s13, v0  }
0x107: {  	v0 =	vsel vm8, s0, v0  }
0x108: {  	v0 =	vsel vm4, s1, v0  }
0x109: {  	v0 =	vsel vm2, s14, v0  }
0x10a: {  	v0 =	vsel vm5, s15, v0  }
0x10b: {  	p1 =	sne.s32 s4, $0x1;
	v0 =	vsel vm1, s16, v0  }
.Ltmp3:
0x10c: {  	s30 =	rddreg [dreg:$0x5];
	v0 =	vsel vm0, s17, v0;
	(pc) =	sbr.rel @p1 .LBB2_3-.Ltmp3, $4  }
0x10d: {  	s31 =	rddreg [dreg:$0x4];
	[tilespmem:$0x20] =	vst v0  }
0x10e: {  	[hbm4b:s31+s2] =	stream.linear.scatter [tilespmem:s30], [sflag:$0x1], $0x20, $0x38;
	[tilespmem:$0x30] =	vst v63  }
0x10f: {  	_ =	swait.ge [sflag:s3], $0x20  }
0x110: {  	s4 =	sadd.s32 $0xFFFFFFFF, s4;
	s5 =	rddreg [dreg:$0x3];
	[sflag:s3] =	ssyncset.done $0x0  }
.LBB2_4:
0x111: {  	[sflag:s3] =	ssyncadd.s32 @p0 $0xFFFFFFE0  }
0x112: {  	[tilespmem:s2], [sflag:$0x1] =	stream.linear.gather [hbm4b:s5+s2], $0x10, $0x38;
	[tilespmem:$0x30] =	vst v63  }
0x113: {  	_ =	swait.ge [sflag:s3], $0x10  }
0x114: {  	[sflag:s3] =	ssyncset.done $0x0  }
0x115: {  	[sflag:s3] =	ssyncadd.s32 $0xFFFFFFF0  }
0x116: {  	v0 =	vld [tilespmem:$0x0];
	_ =	sdelay $0x4  }
0x117: {  	v0 =	vnsel vm15, $0x7F61B1E6, v0  }
0x118: {  	(xrf0) =	vmin.scan.msk.f32 $0xffff, v0;
	_ =	sdelay $0x5  }
0x119: {  	v0, _, _ =	vpop (xrf0)  }
0x11a: {  	(v2sf) =	vpush v0, $0xF;
	_ =	sdelay $0xe  }
0x11b: {  	s0 =	spop (v2sf)  }
0x11c: {  	p0 =	seq.f32 s0, $0.0e+00;
	s0 =	sadd.f32 $-1.000000000e+07, s0  }
0x11d: {  	_ = 	snop  }
0x11e: {  	s0 =	simm.s32 @p0 $0x0  }
0x11f: {  	[dreg:$0x7] =	wrdreg s0  }
0x120: {  	p0 =	seq.f32 s0, $0.0e+00;
	s0 =	sadd.f32 $-1.000000000e+07, s0  }
0x121: {  	_ = 	snop  }
0x122: {  	s0 =	simm.s32 @p0 $0x0  }
0x123: {  	[dreg:$0x9] =	wrdreg s0  }
0x124: {  	p0 =	seq.f32 s0, $0.0e+00;
	s0 =	sadd.f32 $-1.000000000e+07, s0  }
0x125: {  	_ = 	snop  }
0x126: {  	s0 =	simm.s32 @p0 $0x0  }
0x127: {  	p0 =	seq.f32 s0, $0.0e+00;
	s7 =	sadd.f32 $-1.000000000e+07, s0  }
0x128: {  	_ = 	snop  }
0x129: {  	s7 =	simm.s32 @p0 $0x0  }
0x12a: {  	p0 =	seq.f32 s7, $0.0e+00;
	s8 =	sadd.f32 $-1.000000000e+07, s7  }
0x12b: {  	_ = 	snop  }
0x12c: {  	s8 =	simm.s32 @p0 $0x0  }
0x12d: {  	p0 =	seq.f32 s8, $0.0e+00;
	s9 =	sadd.f32 $-1.000000000e+07, s8  }
0x12e: {  	_ = 	snop  }
0x12f: {  	s9 =	simm.s32 @p0 $0x0  }
0x130: {  	p0 =	seq.f32 s9, $0.0e+00;
	s10 =	sadd.f32 $-1.000000000e+07, s9  }
0x131: {  	_ = 	snop  }
0x132: {  	s10 =	simm.s32 @p0 $0x0  }
0x133: {  	p0 =	seq.f32 s10, $0.0e+00;
	s11 =	sadd.f32 $-1.000000000e+07, s10  }
0x134: {  	_ = 	snop  }
0x135: {  	s11 =	simm.s32 @p0 $0x0  }
0x136: {  	p0 =	seq.f32 s11, $0.0e+00;
	s12 =	sadd.f32 $-1.000000000e+07, s11  }
0x137: {  	_ = 	snop  }
0x138: {  	s12 =	simm.s32 @p0 $0x0  }
0x139: {  	p0 =	seq.f32 s12, $0.0e+00;
	s13 =	sadd.f32 $-1.000000000e+07, s12  }
0x13a: {  	_ = 	snop  }
0x13b: {  	s13 =	simm.s32 @p0 $0x0  }
0x13c: {  	p0 =	seq.f32 s13, $0.0e+00;
	s14 =	sadd.f32 $-1.000000000e+07, s13  }
0x13d: {  	_ = 	snop  }
0x13e: {  	s14 =	simm.s32 @p0 $0x0  }
0x13f: {  	p0 =	seq.f32 s14, $0.0e+00;
	s15 =	sadd.f32 $-1.000000000e+07, s14  }
0x140: {  	_ = 	snop  }
0x141: {  	s15 =	simm.s32 @p0 $0x0  }
0x142: {  	p0 =	seq.f32 s15, $0.0e+00;
	s16 =	sadd.f32 $-1.000000000e+07, s15  }
0x143: {  	_ = 	snop  }
0x144: {  	s16 =	simm.s32 @p0 $0x0  }
0x145: {  	p0 =	seq.f32 s16, $0.0e+00;
	s17 =	sadd.f32 $-1.000000000e+07, s16  }
0x146: {  	_ = 	snop  }
0x147: {  	s17 =	simm.s32 @p0 $0x0  }
0x148: {  	p0 =	seq.f32 s17, $0.0e+00;
	s18 =	sadd.f32 $-1.000000000e+07, s17  }
0x149: {  	_ = 	snop  }
0x14a: {  	s18 =	simm.s32 @p0 $0x0  }
0x14b: {  	p0 =	seq.f32 s18, $0.0e+00;
	s5 =	sadd.f32 $-1.000000000e+07, s18  }
0x14c: {  	_ = 	snop  }
0x14d: {  	s5 =	simm.s32 @p0 $0x0  }
0x14e: {  	p0 =	seq.f32 s5, $0.0e+00;
	s6 =	sadd.f32 $-1.000000000e+07, s5  }
0x14f: {  	_ = 	snop  }
0x150: {  	s6 =	simm.s32 @p0 $0x0  }
0x151: {  	p0 =	seq.f32 s6, $0.0e+00;
	s19 =	sadd.f32 $-1.000000000e+07, s6  }
0x152: {  	_ = 	snop  }
0x153: {  	s19 =	simm.s32 @p0 $0x0  }
0x154: {  	p0 =	seq.f32 s19, $0.0e+00;
	s20 =	sadd.f32 $-1.000000000e+07, s19  }
0x155: {  	_ = 	snop  }
0x156: {  	s20 =	simm.s32 @p0 $0x0  }
0x157: {  	p0 =	seq.f32 s20, $0.0e+00;
	s21 =	sadd.f32 $-1.000000000e+07, s20  }
0x158: {  	_ = 	snop  }
0x159: {  	s21 =	simm.s32 @p0 $0x0  }
0x15a: {  	p0 =	seq.f32 s21, $0.0e+00;
	s22 =	sadd.f32 $-1.000000000e+07, s21  }
0x15b: {  	_ = 	snop  }
0x15c: {  	s22 =	simm.s32 @p0 $0x0  }
0x15d: {  	p0 =	seq.f32 s22, $0.0e+00;
	s23 =	sadd.f32 $-1.000000000e+07, s22  }
0x15e: {  	_ = 	snop  }
0x15f: {  	s23 =	simm.s32 @p0 $0x0  }
0x160: {  	p0 =	seq.f32 s23, $0.0e+00;
	s24 =	sadd.f32 $-1.000000000e+07, s23  }
0x161: {  	_ = 	snop  }
0x162: {  	s24 =	simm.s32 @p0 $0x0  }
0x163: {  	p0 =	seq.f32 s24, $0.0e+00;
	s25 =	sadd.f32 $-1.000000000e+07, s24  }
0x164: {  	_ = 	snop  }
0x165: {  	s25 =	simm.s32 @p0 $0x0  }
0x166: {  	p0 =	seq.f32 s25, $0.0e+00;
	s26 =	sadd.f32 $-1.000000000e+07, s25  }
0x167: {  	_ = 	snop  }
0x168: {  	s26 =	simm.s32 @p0 $0x0  }
0x169: {  	p0 =	seq.f32 s26, $0.0e+00;
	s28 =	sadd.f32 $-1.000000000e+07, s26  }
0x16a: {  	_ = 	snop  }
0x16b: {  	s28 =	simm.s32 @p0 $0x0  }
0x16c: {  	p0 =	seq.f32 s28, $0.0e+00;
	s29 =	sadd.f32 $-1.000000000e+07, s28  }
0x16d: {  	_ = 	snop  }
0x16e: {  	s29 =	simm.s32 @p0 $0x0  }
0x16f: {  	p0 =	seq.f32 s29, $0.0e+00;
	s30 =	sadd.f32 $-1.000000000e+07, s29  }
0x170: {  	_ = 	snop  }
0x171: {  	s30 =	simm.s32 @p0 $0x0  }
0x172: {  	p0 =	seq.f32 s30, $0.0e+00;
	s31 =	sadd.f32 $-1.000000000e+07, s30  }
0x173: {  	_ = 	snop  }
0x174: {  	s31 =	simm.s32 @p0 $0x0  }
0x175: {  	p0 =	seq.f32 s31, $0.0e+00;
	s4 =	sadd.f32 $-1.000000000e+07, s31  }
0x176: {  	_ = 	snop  }
0x177: {  	s4 =	simm.s32 @p0 $0x0  }
0x178: {  	p0 =	seq.f32 s4, $0.0e+00;
	s1 =	sadd.f32 $-1.000000000e+07, s4  }
0x179: {  	_ = 	snop  }
0x17a: {  	[dreg:$0xb] =	wrdreg s0;
	s1 =	simm.s32 @p0 $0x0  }
0x17b: {  	p0 =	seq.f32 s1, $0.0e+00;
	s0 =	sadd.f32 $-1.000000000e+07, s1  }
0x17c: {  	_ = 	snop  }
0x17d: {  	v62 =	vmov s5;
	s5 =	rddreg [dreg:$0x7];
	s0 =	simm.s32 @p0 $0x0  }
0x17e: {  	v0 =	vsel vm14, s5, v62;
	s5 =	rddreg [dreg:$0x9];
	v1 =	vmov s0  }
0x17f: {  	v0 =	vsel vm12, s5, v0;
	v1 =	vsel vm14, s6, v1;
	s6 =	rddreg [dreg:$0xb]  }
0x180: {  	v0 =	vsel vm9, s6, v0;
	v1 =	vsel vm12, s19, v1  }
0x181: {  	v0 =	vsel vm13, s7, v0;
	v1 =	vsel vm9, s20, v1  }
0x182: {  	v0 =	vsel vm10, s8, v0;
	v1 =	vsel vm13, s21, v1  }
0x183: {  	v0 =	vsel vm6, s9, v0;
	v1 =	vsel vm10, s22, v1  }
0x184: {  	v0 =	vsel vm11, s10, v0;
	v1 =	vsel vm6, s23, v1  }
0x185: {  	v0 =	vsel vm7, s11, v0;
	v1 =	vsel vm11, s24, v1  }
0x186: {  	v0 =	vsel vm3, s12, v0;
	v1 =	vsel vm7, s25, v1  }
0x187: {  	v0 =	vsel vm8, s13, v0;
	v1 =	vsel vm3, s26, v1  }
0x188: {  	v0 =	vsel vm4, s14, v0;
	v1 =	vsel vm8, s28, v1  }
0x189: {  	v0 =	vsel vm2, s15, v0;
	v1 =	vsel vm4, s29, v1  }
0x18a: {  	v0 =	vsel vm5, s16, v0;
	v1 =	vsel vm2, s30, v1  }
0x18b: {  	v0 =	vsel vm1, s17, v0;
	v1 =	vsel vm5, s31, v1  }
0x18c: {  	v0 =	vsel vm0, s18, v0;
	v1 =	vsel vm1, s4, v1  }
0x18d: {  	s30 =	rddreg [dreg:$0x5];
	[tilespmem:$0x10] =	vst v0;
	v63 =	vsel vm0, s1, v1  }
0x18e: {  	s31 =	rddreg [dreg:$0x4];
	[tilespmem:$0x20] =	vst v63  }
0x18f: {  	[hbm4b:s31+s2] =	stream.linear.scatter [tilespmem:s30], [sflag:$0x1], $0x20, $0x38;
	[tilespmem:$0x30] =	vst v63  }
0x190: {  	_ =	swait.ge [sflag:s3], $0x20  }
0x191: {  	[sflag:s3] =	ssyncset.done $0x0  }
0x192: {  	[sflag:s3] =	ssyncadd.s32 $0xFFFFFFE0  }
0x193: {  	s0 =	stileid.u32;
	s1 =	rddreg [dreg:$0x2]  }
.LBB2_5:
0x194: {  	_ =	sfence.sel $0x180000  }
0x195: {  	[bflag:$0x0] =	sbarrier.arrive $0xFFFF  }
0x196: {  	p0 =	sne.s32 s0, $0x0;
	_ =	strace $0x90000047  }
0x197: {  	s0 =	sadd.s32 @!p0 $0x100000, s1;
	[bflag:$0x2] =	sbarrier.arrive $0xFFFF  }
0x198: {  	[sflag:s0] =	ssyncadd.tile.s32 @!p0 $0x1;
	_ =	shalt  }
.Lfunc_end2:
_tile_overlayer_lowered:
.L_overlay_start_2:
0x199: {  	(tag) =	ssettag $0x2  }
0x19a: {  	s0 =	rddreg [dreg:$0x0];
	s2 =	stileid.u32  }
0x19b: {  	s1 =	rddreg [dreg:$0x1];
	p0 =	sne.s32 s2, $0x0  }
0x19c: {  	s3 =	rddreg [dreg:$0x2];
	[bflag:$0x3] =	sbarrier.arrive $0xFFFF;
	s2 =	simm.s32 @!p0 $0x1C01  }
0x19d: {  	[timem:s3], [sflag:s2] =	dma.local @!p0 [hbm:s0], s1  }
0x19e: {  	s0 =	simm.s32 @!p0 $0x1  }
0x19f: {  	_ =	swait.ge @!p0 [sflag:s0], s1  }
0x1a0: {  	s1 =	ssub.s32 @!p0 $0x0, s1;
	[sflag:s0] =	ssyncset.done @!p0 $0x0  }
0x1a1: {  	[sflag:s0] =	ssyncadd.s32 @!p0 s1  }
0x1a2: {  	[bflag:$0x3] =	sbarrier.arrive $0xFFFF  }
0x1a3: {  	_ =	shalt  }

</sc_bundles>
